<compile_context>
chip_gen: v7x
topology: tpu7x:2x2x1
jax: 0.10.2.dev20260603
libtpu: 0.0.44.dev20260713+nightly
codegen_flags: <defaults>
</compile_context>

<pallas_src>
import functools

import jax
import jax.numpy as jnp
from jax import lax
from jax.experimental import pallas as pl
from jax.experimental.pallas import tpu as pltpu
from jax.experimental.pallas import tpu_sc as plsc

L = 16
NBUF = 2
WROWS = 512


def _build(bh, st, dh):
  nvec = st // L
  nwin = st // WROWS

  mesh = plsc.VectorSubcoreMesh(core_axis_name="c", subcore_axis_name="s")
  nc = mesh.num_cores

  def body(so_hbm, slog_hbm, undo_hbm, stick_hbm, o_hbm, lout_hbm,
           idx_v, stick_v, slog_v, hist_v, out_v, rows_v, sem_in, sem_g):
    b = lax.axis_index("s") * nc + lax.axis_index("c")

    cp1 = pltpu.async_copy(undo_hbm.at[b], idx_v, sem_in)
    cp2 = pltpu.async_copy(stick_hbm.at[b], stick_v.at[pl.ds(L, st)], sem_in)
    cp3 = pltpu.async_copy(slog_hbm.at[b], slog_v, sem_in)
    stick_v[pl.ds(0, L)] = jnp.full((L,), -1, jnp.int32)
    cp1.wait()
    cp2.wait()
    cp3.wait()

    @pl.loop(0, nvec)
    def _(i):
      hist_v[pl.ds(i * L, L)] = jnp.zeros((L,), jnp.int32)

    def win_copy(w, j):
      return pltpu.make_async_copy(
          so_hbm.at[b].at[idx_v.at[pl.ds(w * WROWS, WROWS)]],
          rows_v.at[j],
          sem_g.at[j],
      )

    for j in range(NBUF):
      win_copy(jnp.int32(j), jnp.int32(j)).start()

    def drain(w0, w1):
      @pl.loop(w0, w1)
      def _(w):
        j = lax.rem(w, NBUF)
        win_copy(w, j).wait()
        pltpu.sync_copy(rows_v.at[j],
                        o_hbm.at[b].at[pl.ds(w * WROWS, WROWS), pl.ds(0, dh)])

        @pl.when(w + NBUF < nwin)
        def _():
          win_copy(w + NBUF, j).start()

    ones = jnp.ones((L,), jnp.int32)
    lane = lax.iota(jnp.int32, L)

    @pl.loop(0, nvec)
    def _(i):
      x = stick_v[pl.ds(L + i * L, L)]
      plsc.addupdate_scatter(hist_v, [x], ones)

    @pl.loop(0, nvec, init_carry=jnp.int32(0))
    def _(i, carry):
      sl = pl.ds(i * L, L)
      h = hist_v[sl]
      hist_v[sl] = plsc.cumsum(h) - h + carry
      return carry + jnp.sum(h)

    @pl.loop(0, nvec)
    def _(i):
      x = stick_v[pl.ds(L + i * L, L)]
      v = slog_v[pl.ds(i * L, L)]
      epc = jnp.zeros((L,), jnp.int32)
      for s in range(1, L):
        y = stick_v[pl.ds(L + i * L - s, L)]
        epc = epc + jnp.where((x == y) & (lane >= s), 1, 0)
      pos = plsc.load_gather(hist_v, [x]) + epc
      plsc.store_scatter(out_v, [pos], v)
      plsc.addupdate_scatter(hist_v, [x], ones)

    pltpu.sync_copy(out_v, lout_hbm.at[b])

    drain(0, nwin)

  grid_kernel = pl.kernel(
      body,
      out_type=(
          jax.ShapeDtypeStruct((bh, st, 128), jnp.float32),
          jax.ShapeDtypeStruct((bh, st), jnp.float32),
      ),
      mesh=mesh,
      compiler_params=pltpu.CompilerParams(
          needs_layout_passes=False, use_tc_tiling_on_sc=False,
          skip_device_barrier=True, disable_semaphore_checks=True,
          disable_bounds_checks=True),
      scratch_types=[
          pltpu.VMEM((st,), jnp.int32),
          pltpu.VMEM((st + L,), jnp.int32),
          pltpu.VMEM((st,), jnp.float32),
          pltpu.VMEM((st,), jnp.int32),
          pltpu.VMEM((st,), jnp.float32),
          pltpu.VMEM((NBUF, WROWS, dh), jnp.float32),
          pltpu.SemaphoreType.DMA,
          pltpu.SemaphoreType.DMA((NBUF,)),
      ],
  )
  return grid_kernel


def kernel(so, slogits, undo_sort, sticker):
  bh, st, dh = so.shape
  undo = undo_sort.astype(jnp.int32)
  stick = sticker.astype(jnp.int32)
  o_pad, logits = _build(bh, st, dh)(so, slogits, undo, stick)
  return o_pad[..., :dh], logits

# --- scband reference (transcript-rebuilt; emitter-appended) ---
"""Pipeline reference for scband-unsort-logits-6528350290159 (READ-ONLY COPY).

The authoritative reference and input builder live on the scoring server;
editing this copy changes nothing except your own understanding.
"""

import jax, jax.numpy as jnp
import numpy as np


def setup_inputs(seed: int = 0) -> dict:
    key = jax.random.key(seed)
    k1, k2, k3, k4 = jax.random.split(key, 4)
    bh, st, dh = 32, 8192, 64
    so = jax.random.normal(k1, (bh, st, dh), dtype=jnp.float32)
    slogits = jax.random.normal(k2, (bh, st), dtype=jnp.float32)
    undo_sort = jax.random.randint(k3, (bh, st), 0, st, dtype=jnp.int64)
    sticker = jax.random.randint(k4, (bh, st), 0, st, dtype=jnp.int64)
    return {"so": so, "slogits": slogits, "undo_sort": undo_sort, "sticker": sticker}


def batched_index_select(values, indices):
    # values: [bh, st, dh], indices: [bh, st] -> gather along axis 1 per batch
    return jnp.take_along_axis(values, indices[..., None], axis=1)


def sort_key_val(keys, values):
    # sort keys along last dim, permute values by the same order
    order = jnp.argsort(keys, axis=-1)
    sorted_keys = jnp.take_along_axis(keys, order, axis=-1)
    sorted_vals = jnp.take_along_axis(values, order, axis=-1)
    return sorted_keys, sorted_vals


def reference(so, slogits, undo_sort, sticker):
    so = jax.lax.stop_gradient(so)
    slogits = jax.lax.stop_gradient(slogits)
    o = batched_index_select(so, undo_sort)
    _, logits = sort_key_val(sticker, slogits)
    return (o, logits)

if __name__ == "__main__":
    import jax
    _d = setup_inputs()
    print(jax.jit(kernel)(*tuple(_d.values())))

</pallas_src>

<mosaic_0001>
#map = affine_map<(d0, d1) -> (0, 0, 0)>
#map1 = affine_map<(d0, d1) -> (0, 0)>
module attributes {stable_mosaic.version = 14 : i64} {
  func.func @body(%arg0: i32, %arg1: i32, %arg2: memref<32x8192x64xf32, #tpu.memory_space<hbm>>, %arg3: memref<32x8192xf32, #tpu.memory_space<hbm>>, %arg4: memref<32x8192xi32, #tpu.memory_space<hbm>>, %arg5: memref<32x8192xi32, #tpu.memory_space<hbm>>, %arg6: memref<32x8192x128xf32, #tpu.memory_space<hbm>>, %arg7: memref<32x8192xf32, #tpu.memory_space<hbm>>, %arg8: memref<8192xi32, #tpu.memory_space<vmem>>, %arg9: memref<8208xi32, #tpu.memory_space<vmem>>, %arg10: memref<8192xf32, #tpu.memory_space<vmem>>, %arg11: memref<8192xi32, #tpu.memory_space<vmem>>, %arg12: memref<8192xf32, #tpu.memory_space<vmem>>, %arg13: memref<2x512x64xf32, #tpu.memory_space<vmem>>, %arg14: memref<!tpu.dma_semaphore, #tpu.memory_space<semaphore_mem>>, %arg15: memref<2x!tpu.dma_semaphore, #tpu.memory_space<semaphore_mem>>) attributes {dimension_semantics = [#tpu.dimension_semantics<core_parallel>, #tpu.dimension_semantics<subcore_parallel>], iteration_bounds = array<i64: 2, 16>, scalar_prefetch = 0 : i64, scratch_operands = 8 : i64, tpu.core_type = #tpu.core_type<sc_vector_subcore>, window_params = [{transform_indices = #map}, {transform_indices = #map1}, {transform_indices = #map1}, {transform_indices = #map1}, {transform_indices = #map}, {transform_indices = #map1}]} {
    %mul3A = arith.constant 2 : i32
    %mul3A_0 = arith.muli %arg1, %mul3A : i32
    %add3A = arith.addi %mul3A_0, %arg0 : i32
    %dma_start3A = arith.constant 0 : i32
    %dma_start3A_1 = tpu.memref_slice %arg4[%add3A, %dma_start3A] : memref<32x8192xi32, #tpu.memory_space<hbm>> -> memref<1x8192xi32, #tpu.memory_space<hbm>>
    %dma_start3A_2 = tpu.memref_squeeze %dma_start3A_1 : memref<1x8192xi32, #tpu.memory_space<hbm>> -> memref<8192xi32, #tpu.memory_space<hbm>>
    %dma_start3A_3 = arith.constant 0 : i32
    %dma_start3A_4 = tpu.memref_slice %arg4[%add3A, %dma_start3A_3] : memref<32x8192xi32, #tpu.memory_space<hbm>> -> memref<1x8192xi32, #tpu.memory_space<hbm>>
    %dma_start3A_5 = tpu.memref_squeeze %dma_start3A_4 : memref<1x8192xi32, #tpu.memory_space<hbm>> -> memref<8192xi32, #tpu.memory_space<hbm>>
    tpu.enqueue_dma source(%dma_start3A_5 : memref<8192xi32, #tpu.memory_space<hbm>>) target(%arg8 : memref<8192xi32, #tpu.memory_space<vmem>>) target_semaphore(%arg14 : memref<!tpu.dma_semaphore, #tpu.memory_space<semaphore_mem>>)
    %dma_start3A_6 = arith.constant 16 : i32
    %dma_start3A_7 = tpu.memref_slice %arg9[%dma_start3A_6] : memref<8208xi32, #tpu.memory_space<vmem>> -> memref<8192xi32, #tpu.memory_space<vmem>>
    %dma_start3A_8 = arith.constant 0 : i32
    %dma_start3A_9 = tpu.memref_slice %arg5[%add3A, %dma_start3A_8] : memref<32x8192xi32, #tpu.memory_space<hbm>> -> memref<1x8192xi32, #tpu.memory_space<hbm>>
    %dma_start3A_10 = tpu.memref_squeeze %dma_start3A_9 : memref<1x8192xi32, #tpu.memory_space<hbm>> -> memref<8192xi32, #tpu.memory_space<hbm>>
    %dma_start3A_11 = arith.constant 16 : i32
    %dma_start3A_12 = tpu.memref_slice %arg9[%dma_start3A_11] : memref<8208xi32, #tpu.memory_space<vmem>> -> memref<8192xi32, #tpu.memory_space<vmem>>
    %dma_start3A_13 = arith.constant 0 : i32
    %dma_start3A_14 = tpu.memref_slice %arg5[%add3A, %dma_start3A_13] : memref<32x8192xi32, #tpu.memory_space<hbm>> -> memref<1x8192xi32, #tpu.memory_space<hbm>>
    %dma_start3A_15 = tpu.memref_squeeze %dma_start3A_14 : memref<1x8192xi32, #tpu.memory_space<hbm>> -> memref<8192xi32, #tpu.memory_space<hbm>>
    tpu.enqueue_dma source(%dma_start3A_15 : memref<8192xi32, #tpu.memory_space<hbm>>) target(%dma_start3A_12 : memref<8192xi32, #tpu.memory_space<vmem>>) target_semaphore(%arg14 : memref<!tpu.dma_semaphore, #tpu.memory_space<semaphore_mem>>)
    %dma_start3A_16 = arith.constant 0 : i32
    %dma_start3A_17 = tpu.memref_slice %arg3[%add3A, %dma_start3A_16] : memref<32x8192xf32, #tpu.memory_space<hbm>> -> memref<1x8192xf32, #tpu.memory_space<hbm>>
    %dma_start3A_18 = tpu.memref_squeeze %dma_start3A_17 : memref<1x8192xf32, #tpu.memory_space<hbm>> -> memref<8192xf32, #tpu.memory_space<hbm>>
    %dma_start3A_19 = arith.constant 0 : i32
    %dma_start3A_20 = tpu.memref_slice %arg3[%add3A, %dma_start3A_19] : memref<32x8192xf32, #tpu.memory_space<hbm>> -> memref<1x8192xf32, #tpu.memory_space<hbm>>
    %dma_start3A_21 = tpu.memref_squeeze %dma_start3A_20 : memref<1x8192xf32, #tpu.memory_space<hbm>> -> memref<8192xf32, #tpu.memory_space<hbm>>
    tpu.enqueue_dma source(%dma_start3A_21 : memref<8192xf32, #tpu.memory_space<hbm>>) target(%arg10 : memref<8192xf32, #tpu.memory_space<vmem>>) target_semaphore(%arg14 : memref<!tpu.dma_semaphore, #tpu.memory_space<semaphore_mem>>)
    %broadcast_in_dim3A = arith.constant -1 : i32
    %broadcast_in_dim3A_22 = vector.broadcast %broadcast_in_dim3A : i32 to vector<16xi32>
    %swap3A = arith.constant 0 : index
    %swap3A_23 = tpu.vector_load %arg9[%swap3A] {strides = array<i32>} : memref<8208xi32, #tpu.memory_space<vmem>>, vector<16xi32>,
    tpu.vector_store %arg9[%swap3A], %broadcast_in_dim3A_22 {strides = array<i32>} : memref<8208xi32, #tpu.memory_space<vmem>>, vector<16xi32>,
    %dma_wait3A = arith.constant 0 : i32
    %dma_wait3A_24 = tpu.memref_slice %arg4[%add3A, %dma_wait3A] : memref<32x8192xi32, #tpu.memory_space<hbm>> -> memref<1x8192xi32, #tpu.memory_space<hbm>>
    %dma_wait3A_25 = tpu.memref_squeeze %dma_wait3A_24 : memref<1x8192xi32, #tpu.memory_space<hbm>> -> memref<8192xi32, #tpu.memory_space<hbm>>
    %dma_wait3A_26 = arith.constant 0 : i32
    %dma_wait3A_27 = tpu.memref_slice %arg4[%add3A, %dma_wait3A_26] : memref<32x8192xi32, #tpu.memory_space<hbm>> -> memref<1x8192xi32, #tpu.memory_space<hbm>>
    %dma_wait3A_28 = tpu.memref_squeeze %dma_wait3A_27 : memref<1x8192xi32, #tpu.memory_space<hbm>> -> memref<8192xi32, #tpu.memory_space<hbm>>
    tpu.wait_dma2 semaphore(%arg14 : memref<!tpu.dma_semaphore, #tpu.memory_space<semaphore_mem>>) src(%dma_wait3A_28 : memref<8192xi32, #tpu.memory_space<hbm>>) dst(%arg8 : memref<8192xi32, #tpu.memory_space<vmem>>)
    %dma_wait3A_29 = arith.constant 16 : i32
    %dma_wait3A_30 = tpu.memref_slice %arg9[%dma_wait3A_29] : memref<8208xi32, #tpu.memory_space<vmem>> -> memref<8192xi32, #tpu.memory_space<vmem>>
    %dma_wait3A_31 = arith.constant 0 : i32
    %dma_wait3A_32 = tpu.memref_slice %arg5[%add3A, %dma_wait3A_31] : memref<32x8192xi32, #tpu.memory_space<hbm>> -> memref<1x8192xi32, #tpu.memory_space<hbm>>
    %dma_wait3A_33 = tpu.memref_squeeze %dma_wait3A_32 : memref<1x8192xi32, #tpu.memory_space<hbm>> -> memref<8192xi32, #tpu.memory_space<hbm>>
    %dma_wait3A_34 = arith.constant 16 : i32
    %dma_wait3A_35 = tpu.memref_slice %arg9[%dma_wait3A_34] : memref<8208xi32, #tpu.memory_space<vmem>> -> memref<8192xi32, #tpu.memory_space<vmem>>
    %dma_wait3A_36 = arith.constant 0 : i32
    %dma_wait3A_37 = tpu.memref_slice %arg5[%add3A, %dma_wait3A_36] : memref<32x8192xi32, #tpu.memory_space<hbm>> -> memref<1x8192xi32, #tpu.memory_space<hbm>>
    %dma_wait3A_38 = tpu.memref_squeeze %dma_wait3A_37 : memref<1x8192xi32, #tpu.memory_space<hbm>> -> memref<8192xi32, #tpu.memory_space<hbm>>
    tpu.wait_dma2 semaphore(%arg14 : memref<!tpu.dma_semaphore, #tpu.memory_space<semaphore_mem>>) src(%dma_wait3A_38 : memref<8192xi32, #tpu.memory_space<hbm>>) dst(%dma_wait3A_35 : memref<8192xi32, #tpu.memory_space<vmem>>)
    %dma_wait3A_39 = arith.constant 0 : i32
    %dma_wait3A_40 = tpu.memref_slice %arg3[%add3A, %dma_wait3A_39] : memref<32x8192xf32, #tpu.memory_space<hbm>> -> memref<1x8192xf32, #tpu.memory_space<hbm>>
    %dma_wait3A_41 = tpu.memref_squeeze %dma_wait3A_40 : memref<1x8192xf32, #tpu.memory_space<hbm>> -> memref<8192xf32, #tpu.memory_space<hbm>>
    %dma_wait3A_42 = arith.constant 0 : i32
    %dma_wait3A_43 = tpu.memref_slice %arg3[%add3A, %dma_wait3A_42] : memref<32x8192xf32, #tpu.memory_space<hbm>> -> memref<1x8192xf32, #tpu.memory_space<hbm>>
    %dma_wait3A_44 = tpu.memref_squeeze %dma_wait3A_43 : memref<1x8192xf32, #tpu.memory_space<hbm>> -> memref<8192xf32, #tpu.memory_space<hbm>>
    tpu.wait_dma2 semaphore(%arg14 : memref<!tpu.dma_semaphore, #tpu.memory_space<semaphore_mem>>) src(%dma_wait3A_44 : memref<8192xf32, #tpu.memory_space<hbm>>) dst(%arg10 : memref<8192xf32, #tpu.memory_space<vmem>>)
    %scan3A = arith.constant 0 : i32
    %scan3A_45 = arith.constant 512 : i32
    %scan3A_46 = arith.addi %scan3A, %scan3A_45 : i32
    %scan3A_47 = arith.constant 1 : i32
    scf.for %scan3A_111 = %scan3A to %scan3A_46 step %scan3A_47  : i32 {
      %mul3A_112 = arith.constant 1 : i32
      %mul3A_113 = arith.muli %scan3A_111, %mul3A_112 : i32
      %add3A_114 = arith.constant 0 : i32
      %add3A_115 = arith.addi %add3A_114, %mul3A_113 : i32
      %broadcast_in_dim3A_116 = arith.constant 0 : i32
      %broadcast_in_dim3A_117 = vector.broadcast %broadcast_in_dim3A_116 : i32 to vector<16xi32>
      %mul3A_118 = arith.constant 16 : i32
      %mul3A_119 = arith.muli %add3A_115, %mul3A_118 : i32
      %swap3A_120 = arith.index_cast %mul3A_119 : i32 to index
      %swap3A_121 = tpu.vector_load %arg11[%swap3A_120] {strides = array<i32>} : memref<8192xi32, #tpu.memory_space<vmem>>, vector<16xi32>,
      tpu.vector_store %arg11[%swap3A_120], %broadcast_in_dim3A_117 {strides = array<i32>} : memref<8192xi32, #tpu.memory_space<vmem>>, vector<16xi32>,
    }
    %scan3A_48 = arith.constant 512 : i32
    %mul3A_49 = arith.constant 0 : i32
    %mul3A_50 = arith.constant 512 : i32
    %mul3A_51 = arith.muli %mul3A_49, %mul3A_50 : i32
    %dma_start3A_52 = arith.constant 0 : i32
    %dma_start3A_53 = arith.constant 0 : i32
    %dma_start3A_54 = arith.constant 0 : i32
    %dma_start3A_55 = arith.constant 0 : i32
    %dma_start3A_56 = tpu.memref_slice %arg13[%dma_start3A_52, %dma_start3A_54, %dma_start3A_55] : memref<2x512x64xf32, #tpu.memory_space<vmem>> -> memref<1x512x64xf32, #tpu.memory_space<vmem>>
    %dma_start3A_57 = tpu.memref_squeeze %dma_start3A_56 : memref<1x512x64xf32, #tpu.memory_space<vmem>> -> memref<512x64xf32, #tpu.memory_space<vmem>>
    %dma_start3A_58 = tpu.memref_slice %arg8[%mul3A_51] : memref<8192xi32, #tpu.memory_space<vmem>> -> memref<512xi32, #tpu.memory_space<vmem>>
    %dma_start3A_59 = arith.constant 0 : i32
    %dma_start3A_60 = arith.constant 0 : i32
    %dma_start3A_61 = tpu.memref_slice %arg2[%add3A, %dma_start3A_59, %dma_start3A_60] : memref<32x8192x64xf32, #tpu.memory_space<hbm>> -> memref<1x8192x64xf32, #tpu.memory_space<hbm>>
    %dma_start3A_62 = tpu.memref_squeeze %dma_start3A_61 : memref<1x8192x64xf32, #tpu.memory_space<hbm>> -> memref<8192x64xf32, #tpu.memory_space<hbm>>
    %dma_start3A_63 = arith.constant 0 : i32
    %dma_start3A_64 = arith.constant 0 : i32
    %dma_start3A_65 = tpu.memref_slice %dma_start3A_62[%dma_start3A_63, %dma_start3A_64] : memref<8192x64xf32, #tpu.memory_space<hbm>> -> memref<8192x64xf32, #tpu.memory_space<hbm>>
    %dma_start3A_66 = tpu.memref_slice %arg15[%dma_start3A_53] : memref<2x!tpu.dma_semaphore, #tpu.memory_space<semaphore_mem>> -> memref<1x!tpu.dma_semaphore, #tpu.memory_space<semaphore_mem>>
    %dma_start3A_67 = tpu.memref_squeeze %dma_start3A_66 : memref<1x!tpu.dma_semaphore, #tpu.memory_space<semaphore_mem>> -> memref<!tpu.dma_semaphore, #tpu.memory_space<semaphore_mem>>
    tpu.enqueue_indirect_dma source(%dma_start3A_65 : memref<8192x64xf32, #tpu.memory_space<hbm>>) target(%dma_start3A_57 : memref<512x64xf32, #tpu.memory_space<vmem>>) offsets(%dma_start3A_58 : memref<512xi32, #tpu.memory_space<vmem>>) semaphore(%dma_start3A_67 : memref<!tpu.dma_semaphore, #tpu.memory_space<semaphore_mem>>)
    %mul3A_68 = arith.constant 1 : i32
    %mul3A_69 = arith.constant 512 : i32
    %mul3A_70 = arith.muli %mul3A_68, %mul3A_69 : i32
    %dma_start3A_71 = arith.constant 1 : i32
    %dma_start3A_72 = arith.constant 1 : i32
    %dma_start3A_73 = arith.constant 0 : i32
    %dma_start3A_74 = arith.constant 0 : i32
    %dma_start3A_75 = tpu.memref_slice %arg13[%dma_start3A_71, %dma_start3A_73, %dma_start3A_74] : memref<2x512x64xf32, #tpu.memory_space<vmem>> -> memref<1x512x64xf32, #tpu.memory_space<vmem>>
    %dma_start3A_76 = tpu.memref_squeeze %dma_start3A_75 : memref<1x512x64xf32, #tpu.memory_space<vmem>> -> memref<512x64xf32, #tpu.memory_space<vmem>>
    %dma_start3A_77 = tpu.memref_slice %arg8[%mul3A_70] : memref<8192xi32, #tpu.memory_space<vmem>> -> memref<512xi32, #tpu.memory_space<vmem>>
    %dma_start3A_78 = arith.constant 0 : i32
    %dma_start3A_79 = arith.constant 0 : i32
    %dma_start3A_80 = tpu.memref_slice %arg2[%add3A, %dma_start3A_78, %dma_start3A_79] : memref<32x8192x64xf32, #tpu.memory_space<hbm>> -> memref<1x8192x64xf32, #tpu.memory_space<hbm>>
    %dma_start3A_81 = tpu.memref_squeeze %dma_start3A_80 : memref<1x8192x64xf32, #tpu.memory_space<hbm>> -> memref<8192x64xf32, #tpu.memory_space<hbm>>
    %dma_start3A_82 = arith.constant 0 : i32
    %dma_start3A_83 = arith.constant 0 : i32
    %dma_start3A_84 = tpu.memref_slice %dma_start3A_81[%dma_start3A_82, %dma_start3A_83] : memref<8192x64xf32, #tpu.memory_space<hbm>> -> memref<8192x64xf32, #tpu.memory_space<hbm>>
    %dma_start3A_85 = tpu.memref_slice %arg15[%dma_start3A_72] : memref<2x!tpu.dma_semaphore, #tpu.memory_space<semaphore_mem>> -> memref<1x!tpu.dma_semaphore, #tpu.memory_space<semaphore_mem>>
    %dma_start3A_86 = tpu.memref_squeeze %dma_start3A_85 : memref<1x!tpu.dma_semaphore, #tpu.memory_space<semaphore_mem>> -> memref<!tpu.dma_semaphore, #tpu.memory_space<semaphore_mem>>
    tpu.enqueue_indirect_dma source(%dma_start3A_84 : memref<8192x64xf32, #tpu.memory_space<hbm>>) target(%dma_start3A_76 : memref<512x64xf32, #tpu.memory_space<vmem>>) offsets(%dma_start3A_77 : memref<512xi32, #tpu.memory_space<vmem>>) semaphore(%dma_start3A_86 : memref<!tpu.dma_semaphore, #tpu.memory_space<semaphore_mem>>)
    %broadcast_in_dim3A_87 = arith.constant 1 : i32
    %broadcast_in_dim3A_88 = vector.broadcast %broadcast_in_dim3A_87 : i32 to vector<16xi32>
    %iota3A = tpu.iota {dimensions = array<i32: 0>} : vector<16xi32>
    %scan3A_89 = arith.constant 0 : i32
    %scan3A_90 = arith.constant 512 : i32
    %scan3A_91 = arith.addi %scan3A_89, %scan3A_90 : i32
    %scan3A_92 = arith.constant 1 : i32
    scf.for %scan3A_111 = %scan3A_89 to %scan3A_91 step %scan3A_92  : i32 {
      %mul3A_112 = arith.constant 1 : i32
      %mul3A_113 = arith.muli %scan3A_111, %mul3A_112 : i32
      %add3A_114 = arith.constant 0 : i32
      %add3A_115 = arith.addi %add3A_114, %mul3A_113 : i32
      %mul3A_116 = arith.constant 16 : i32
      %mul3A_117 = arith.muli %add3A_115, %mul3A_116 : i32
      %add3A_118 = arith.constant 16 : i32
      %add3A_119 = arith.addi %add3A_118, %mul3A_117 : i32
      %get3A = arith.index_cast %add3A_119 : i32 to index
      %get3A_120 = tpu.vector_load %arg9[%get3A] {strides = array<i32>} : memref<8208xi32, #tpu.memory_space<vmem>>, vector<16xi32>,
      tpu.vector_store_idx %arg11[%get3A_120], %broadcast_in_dim3A_88 {add = true} : memref<8192xi32, #tpu.memory_space<vmem>>[vector<16xi32>], vector<16xi32>,
    }
    %scan3A_93 = arith.constant 512 : i32
    %scan3A_94 = arith.constant 0 : i32
    %scan3A_95 = arith.constant 0 : i32
    %scan3A_96 = arith.constant 512 : i32
    %scan3A_97 = arith.addi %scan3A_95, %scan3A_96 : i32
    %scan3A_98 = arith.constant 1 : i32
    %scan3A_99 = scf.for %scan3A_111 = %scan3A_95 to %scan3A_97 step %scan3A_98 iter_args(%scan3A_112 = %scan3A_94) -> (i32)  : i32 {
      %mul3A_113 = arith.constant 1 : i32
      %mul3A_114 = arith.muli %scan3A_111, %mul3A_113 : i32
      %add3A_115 = arith.constant 0 : i32
      %add3A_116 = arith.addi %add3A_115, %mul3A_114 : i32
      %mul3A_117 = arith.constant 16 : i32
      %mul3A_118 = arith.muli %add3A_116, %mul3A_117 : i32
      %get3A = arith.index_cast %mul3A_118 : i32 to index
      %get3A_119 = tpu.vector_load %arg11[%get3A] {strides = array<i32>} : memref<8192xi32, #tpu.memory_space<vmem>>, vector<16xi32>,
      %broadcast_in_dim3A_120 = arith.constant true
      %broadcast_in_dim3A_121 = vector.broadcast %broadcast_in_dim3A_120 : i1 to vector<16xi1>
      %masked_cumsum3A = tpu.scan <sum>, %get3A_119 masked %broadcast_in_dim3A_121 : vector<16xi32>, vector<16xi1> -> vector<16xi32>
      %sub3A = arith.subi %masked_cumsum3A, %get3A_119 : vector<16xi32>
      %add3A_122 = vector.broadcast %scan3A_112 : i32 to vector<16xi32>
      %add3A_123 = arith.addi %sub3A, %add3A_122 : vector<16xi32>
      %swap3A_124 = arith.index_cast %mul3A_118 : i32 to index
      %swap3A_125 = tpu.vector_load %arg11[%swap3A_124] {strides = array<i32>} : memref<8192xi32, #tpu.memory_space<vmem>>, vector<16xi32>,
      tpu.vector_store %arg11[%swap3A_124], %add3A_123 {strides = array<i32>} : memref<8192xi32, #tpu.memory_space<vmem>>, vector<16xi32>,
      %reduce_sum3A = arith.constant true
      %reduce_sum3A_126 = vector.broadcast %reduce_sum3A : i1 to vector<16xi1>
      %reduce_sum3A_127 = tpu.scan <sum>, %get3A_119 masked %reduce_sum3A_126 : vector<16xi32>, vector<16xi1> -> vector<16xi32>
      %reduce_sum3A_128 = vector.extract %reduce_sum3A_127[15] : i32 from vector<16xi32>
      %add3A_129 = arith.addi %scan3A_112, %reduce_sum3A_128 : i32
      scf.yield %add3A_129 : i32
    }
    %scan3A_100 = arith.constant 512 : i32
    %scan3A_101 = arith.constant 0 : i32
    %scan3A_102 = arith.constant 512 : i32
    %scan3A_103 = arith.addi %scan3A_101, %scan3A_102 : i32
    %scan3A_104 = arith.constant 1 : i32
    scf.for %scan3A_111 = %scan3A_101 to %scan3A_103 step %scan3A_104  : i32 {
      %mul3A_112 = arith.constant 1 : i32
      %mul3A_113 = arith.muli %scan3A_111, %mul3A_112 : i32
      %add3A_114 = arith.constant 0 : i32
      %add3A_115 = arith.addi %add3A_114, %mul3A_113 : i32
      %mul3A_116 = arith.constant 16 : i32
      %mul3A_117 = arith.muli %add3A_115, %mul3A_116 : i32
      %add3A_118 = arith.constant 16 : i32
      %add3A_119 = arith.addi %add3A_118, %mul3A_117 : i32
      %get3A = arith.index_cast %add3A_119 : i32 to index
      %get3A_120 = tpu.vector_load %arg9[%get3A] {strides = array<i32>} : memref<8208xi32, #tpu.memory_space<vmem>>, vector<16xi32>,
      %mul3A_121 = arith.constant 16 : i32
      %mul3A_122 = arith.muli %add3A_115, %mul3A_121 : i32
      %get3A_123 = arith.index_cast %mul3A_122 : i32 to index
      %get3A_124 = tpu.vector_load %arg10[%get3A_123] {strides = array<i32>} : memref<8192xf32, #tpu.memory_space<vmem>>, vector<16xf32>,
      %broadcast_in_dim3A_125 = arith.constant 0 : i32
      %broadcast_in_dim3A_126 = vector.broadcast %broadcast_in_dim3A_125 : i32 to vector<16xi32>
      %mul3A_127 = arith.constant 16 : i32
      %mul3A_128 = arith.muli %add3A_115, %mul3A_127 : i32
      %add3A_129 = arith.constant 16 : i32
      %add3A_130 = arith.addi %add3A_129, %mul3A_128 : i32
      %sub3A = arith.constant 1 : i32
      %sub3A_131 = arith.subi %add3A_130, %sub3A : i32
      %get3A_132 = arith.index_cast %sub3A_131 : i32 to index
      %get3A_133 = tpu.vector_load %arg9[%get3A_132] {strides = array<i32>} : memref<8208xi32, #tpu.memory_space<vmem>>, vector<16xi32>,
      %eq3A = arith.cmpi eq, %get3A_120, %get3A_133 : vector<16xi32>
      %ge3A = arith.constant 1 : i32
      %ge3A_134 = vector.broadcast %ge3A : i32 to vector<16xi32>
      %ge3A_135 = arith.cmpi sge, %iota3A, %ge3A_134 : vector<16xi32>
      %and3A = arith.andi %eq3A, %ge3A_135 : vector<16xi1>
      %jit3A = arith.constant 1 : i32
      %jit3A_136 = arith.constant 0 : i32
      %broadcast_in_dim3A_137 = vector.broadcast %jit3A : i32 to vector<16xi32>
      %broadcast_in_dim3A_138 = vector.broadcast %jit3A_136 : i32 to vector<16xi32>
      %select_n3A = arith.select %and3A, %broadcast_in_dim3A_137, %broadcast_in_dim3A_138 : vector<16xi1>, vector<16xi32>
      %add3A_139 = arith.addi %broadcast_in_dim3A_126, %select_n3A : vector<16xi32>
      %mul3A_140 = arith.constant 16 : i32
      %mul3A_141 = arith.muli %add3A_115, %mul3A_140 : i32
      %add3A_142 = arith.constant 16 : i32
      %add3A_143 = arith.addi %add3A_142, %mul3A_141 : i32
      %sub3A_144 = arith.constant 2 : i32
      %sub3A_145 = arith.subi %add3A_143, %sub3A_144 : i32
      %get3A_146 = arith.index_cast %sub3A_145 : i32 to index
      %get3A_147 = tpu.vector_load %arg9[%get3A_146] {strides = array<i32>} : memref<8208xi32, #tpu.memory_space<vmem>>, vector<16xi32>,
      %eq3A_148 = arith.cmpi eq, %get3A_120, %get3A_147 : vector<16xi32>
      %ge3A_149 = arith.constant 2 : i32
      %ge3A_150 = vector.broadcast %ge3A_149 : i32 to vector<16xi32>
      %ge3A_151 = arith.cmpi sge, %iota3A, %ge3A_150 : vector<16xi32>
      %and3A_152 = arith.andi %eq3A_148, %ge3A_151 : vector<16xi1>
      %jit3A_153 = arith.constant 1 : i32
      %jit3A_154 = arith.constant 0 : i32
      %broadcast_in_dim3A_155 = vector.broadcast %jit3A_153 : i32 to vector<16xi32>
      %broadcast_in_dim3A_156 = vector.broadcast %jit3A_154 : i32 to vector<16xi32>
      %select_n3A_157 = arith.select %and3A_152, %broadcast_in_dim3A_155, %broadcast_in_dim3A_156 : vector<16xi1>, vector<16xi32>
      %add3A_158 = arith.addi %add3A_139, %select_n3A_157 : vector<16xi32>
      %mul3A_159 = arith.constant 16 : i32
      %mul3A_160 = arith.muli %add3A_115, %mul3A_159 : i32
      %add3A_161 = arith.constant 16 : i32
      %add3A_162 = arith.addi %add3A_161, %mul3A_160 : i32
      %sub3A_163 = arith.constant 3 : i32
      %sub3A_164 = arith.subi %add3A_162, %sub3A_163 : i32
      %get3A_165 = arith.index_cast %sub3A_164 : i32 to index
      %get3A_166 = tpu.vector_load %arg9[%get3A_165] {strides = array<i32>} : memref<8208xi32, #tpu.memory_space<vmem>>, vector<16xi32>,
      %eq3A_167 = arith.cmpi eq, %get3A_120, %get3A_166 : vector<16xi32>
      %ge3A_168 = arith.constant 3 : i32
      %ge3A_169 = vector.broadcast %ge3A_168 : i32 to vector<16xi32>
      %ge3A_170 = arith.cmpi sge, %iota3A, %ge3A_169 : vector<16xi32>
      %and3A_171 = arith.andi %eq3A_167, %ge3A_170 : vector<16xi1>
      %jit3A_172 = arith.constant 1 : i32
      %jit3A_173 = arith.constant 0 : i32
      %broadcast_in_dim3A_174 = vector.broadcast %jit3A_172 : i32 to vector<16xi32>
      %broadcast_in_dim3A_175 = vector.broadcast %jit3A_173 : i32 to vector<16xi32>
      %select_n3A_176 = arith.select %and3A_171, %broadcast_in_dim3A_174, %broadcast_in_dim3A_175 : vector<16xi1>, vector<16xi32>
      %add3A_177 = arith.addi %add3A_158, %select_n3A_176 : vector<16xi32>
      %mul3A_178 = arith.constant 16 : i32
      %mul3A_179 = arith.muli %add3A_115, %mul3A_178 : i32
      %add3A_180 = arith.constant 16 : i32
      %add3A_181 = arith.addi %add3A_180, %mul3A_179 : i32
      %sub3A_182 = arith.constant 4 : i32
      %sub3A_183 = arith.subi %add3A_181, %sub3A_182 : i32
      %get3A_184 = arith.index_cast %sub3A_183 : i32 to index
      %get3A_185 = tpu.vector_load %arg9[%get3A_184] {strides = array<i32>} : memref<8208xi32, #tpu.memory_space<vmem>>, vector<16xi32>,
      %eq3A_186 = arith.cmpi eq, %get3A_120, %get3A_185 : vector<16xi32>
      %ge3A_187 = arith.constant 4 : i32
      %ge3A_188 = vector.broadcast %ge3A_187 : i32 to vector<16xi32>
      %ge3A_189 = arith.cmpi sge, %iota3A, %ge3A_188 : vector<16xi32>
      %and3A_190 = arith.andi %eq3A_186, %ge3A_189 : vector<16xi1>
      %jit3A_191 = arith.constant 1 : i32
      %jit3A_192 = arith.constant 0 : i32
      %broadcast_in_dim3A_193 = vector.broadcast %jit3A_191 : i32 to vector<16xi32>
      %broadcast_in_dim3A_194 = vector.broadcast %jit3A_192 : i32 to vector<16xi32>
      %select_n3A_195 = arith.select %and3A_190, %broadcast_in_dim3A_193, %broadcast_in_dim3A_194 : vector<16xi1>, vector<16xi32>
      %add3A_196 = arith.addi %add3A_177, %select_n3A_195 : vector<16xi32>
      %mul3A_197 = arith.constant 16 : i32
      %mul3A_198 = arith.muli %add3A_115, %mul3A_197 : i32
      %add3A_199 = arith.constant 16 : i32
      %add3A_200 = arith.addi %add3A_199, %mul3A_198 : i32
      %sub3A_201 = arith.constant 5 : i32
      %sub3A_202 = arith.subi %add3A_200, %sub3A_201 : i32
      %get3A_203 = arith.index_cast %sub3A_202 : i32 to index
      %get3A_204 = tpu.vector_load %arg9[%get3A_203] {strides = array<i32>} : memref<8208xi32, #tpu.memory_space<vmem>>, vector<16xi32>,
      %eq3A_205 = arith.cmpi eq, %get3A_120, %get3A_204 : vector<16xi32>
      %ge3A_206 = arith.constant 5 : i32
      %ge3A_207 = vector.broadcast %ge3A_206 : i32 to vector<16xi32>
      %ge3A_208 = arith.cmpi sge, %iota3A, %ge3A_207 : vector<16xi32>
      %and3A_209 = arith.andi %eq3A_205, %ge3A_208 : vector<16xi1>
      %jit3A_210 = arith.constant 1 : i32
      %jit3A_211 = arith.constant 0 : i32
      %broadcast_in_dim3A_212 = vector.broadcast %jit3A_210 : i32 to vector<16xi32>
      %broadcast_in_dim3A_213 = vector.broadcast %jit3A_211 : i32 to vector<16xi32>
      %select_n3A_214 = arith.select %and3A_209, %broadcast_in_dim3A_212, %broadcast_in_dim3A_213 : vector<16xi1>, vector<16xi32>
      %add3A_215 = arith.addi %add3A_196, %select_n3A_214 : vector<16xi32>
      %mul3A_216 = arith.constant 16 : i32
      %mul3A_217 = arith.muli %add3A_115, %mul3A_216 : i32
      %add3A_218 = arith.constant 16 : i32
      %add3A_219 = arith.addi %add3A_218, %mul3A_217 : i32
      %sub3A_220 = arith.constant 6 : i32
      %sub3A_221 = arith.subi %add3A_219, %sub3A_220 : i32
      %get3A_222 = arith.index_cast %sub3A_221 : i32 to index
      %get3A_223 = tpu.vector_load %arg9[%get3A_222] {strides = array<i32>} : memref<8208xi32, #tpu.memory_space<vmem>>, vector<16xi32>,
      %eq3A_224 = arith.cmpi eq, %get3A_120, %get3A_223 : vector<16xi32>
      %ge3A_225 = arith.constant 6 : i32
      %ge3A_226 = vector.broadcast %ge3A_225 : i32 to vector<16xi32>
      %ge3A_227 = arith.cmpi sge, %iota3A, %ge3A_226 : vector<16xi32>
      %and3A_228 = arith.andi %eq3A_224, %ge3A_227 : vector<16xi1>
      %jit3A_229 = arith.constant 1 : i32
      %jit3A_230 = arith.constant 0 : i32
      %broadcast_in_dim3A_231 = vector.broadcast %jit3A_229 : i32 to vector<16xi32>
      %broadcast_in_dim3A_232 = vector.broadcast %jit3A_230 : i32 to vector<16xi32>
      %select_n3A_233 = arith.select %and3A_228, %broadcast_in_dim3A_231, %broadcast_in_dim3A_232 : vector<16xi1>, vector<16xi32>
      %add3A_234 = arith.addi %add3A_215, %select_n3A_233 : vector<16xi32>
      %mul3A_235 = arith.constant 16 : i32
      %mul3A_236 = arith.muli %add3A_115, %mul3A_235 : i32
      %add3A_237 = arith.constant 16 : i32
      %add3A_238 = arith.addi %add3A_237, %mul3A_236 : i32
      %sub3A_239 = arith.constant 7 : i32
      %sub3A_240 = arith.subi %add3A_238, %sub3A_239 : i32
      %get3A_241 = arith.index_cast %sub3A_240 : i32 to index
      %get3A_242 = tpu.vector_load %arg9[%get3A_241] {strides = array<i32>} : memref<8208xi32, #tpu.memory_space<vmem>>, vector<16xi32>,
      %eq3A_243 = arith.cmpi eq, %get3A_120, %get3A_242 : vector<16xi32>
      %ge3A_244 = arith.constant 7 : i32
      %ge3A_245 = vector.broadcast %ge3A_244 : i32 to vector<16xi32>
      %ge3A_246 = arith.cmpi sge, %iota3A, %ge3A_245 : vector<16xi32>
      %and3A_247 = arith.andi %eq3A_243, %ge3A_246 : vector<16xi1>
      %jit3A_248 = arith.constant 1 : i32
      %jit3A_249 = arith.constant 0 : i32
      %broadcast_in_dim3A_250 = vector.broadcast %jit3A_248 : i32 to vector<16xi32>
      %broadcast_in_dim3A_251 = vector.broadcast %jit3A_249 : i32 to vector<16xi32>
      %select_n3A_252 = arith.select %and3A_247, %broadcast_in_dim3A_250, %broadcast_in_dim3A_251 : vector<16xi1>, vector<16xi32>
      %add3A_253 = arith.addi %add3A_234, %select_n3A_252 : vector<16xi32>
      %mul3A_254 = arith.constant 16 : i32
      %mul3A_255 = arith.muli %add3A_115, %mul3A_254 : i32
      %add3A_256 = arith.constant 16 : i32
      %add3A_257 = arith.addi %add3A_256, %mul3A_255 : i32
      %sub3A_258 = arith.constant 8 : i32
      %sub3A_259 = arith.subi %add3A_257, %sub3A_258 : i32
      %get3A_260 = arith.index_cast %sub3A_259 : i32 to index
      %get3A_261 = tpu.vector_load %arg9[%get3A_260] {strides = array<i32>} : memref<8208xi32, #tpu.memory_space<vmem>>, vector<16xi32>,
      %eq3A_262 = arith.cmpi eq, %get3A_120, %get3A_261 : vector<16xi32>
      %ge3A_263 = arith.constant 8 : i32
      %ge3A_264 = vector.broadcast %ge3A_263 : i32 to vector<16xi32>
      %ge3A_265 = arith.cmpi sge, %iota3A, %ge3A_264 : vector<16xi32>
      %and3A_266 = arith.andi %eq3A_262, %ge3A_265 : vector<16xi1>
      %jit3A_267 = arith.constant 1 : i32
      %jit3A_268 = arith.constant 0 : i32
      %broadcast_in_dim3A_269 = vector.broadcast %jit3A_267 : i32 to vector<16xi32>
      %broadcast_in_dim3A_270 = vector.broadcast %jit3A_268 : i32 to vector<16xi32>
      %select_n3A_271 = arith.select %and3A_266, %broadcast_in_dim3A_269, %broadcast_in_dim3A_270 : vector<16xi1>, vector<16xi32>
      %add3A_272 = arith.addi %add3A_253, %select_n3A_271 : vector<16xi32>
      %mul3A_273 = arith.constant 16 : i32
      %mul3A_274 = arith.muli %add3A_115, %mul3A_273 : i32
      %add3A_275 = arith.constant 16 : i32
      %add3A_276 = arith.addi %add3A_275, %mul3A_274 : i32
      %sub3A_277 = arith.constant 9 : i32
      %sub3A_278 = arith.subi %add3A_276, %sub3A_277 : i32
      %get3A_279 = arith.index_cast %sub3A_278 : i32 to index
      %get3A_280 = tpu.vector_load %arg9[%get3A_279] {strides = array<i32>} : memref<8208xi32, #tpu.memory_space<vmem>>, vector<16xi32>,
      %eq3A_281 = arith.cmpi eq, %get3A_120, %get3A_280 : vector<16xi32>
      %ge3A_282 = arith.constant 9 : i32
      %ge3A_283 = vector.broadcast %ge3A_282 : i32 to vector<16xi32>
      %ge3A_284 = arith.cmpi sge, %iota3A, %ge3A_283 : vector<16xi32>
      %and3A_285 = arith.andi %eq3A_281, %ge3A_284 : vector<16xi1>
      %jit3A_286 = arith.constant 1 : i32
      %jit3A_287 = arith.constant 0 : i32
      %broadcast_in_dim3A_288 = vector.broadcast %jit3A_286 : i32 to vector<16xi32>
      %broadcast_in_dim3A_289 = vector.broadcast %jit3A_287 : i32 to vector<16xi32>
      %select_n3A_290 = arith.select %and3A_285, %broadcast_in_dim3A_288, %broadcast_in_dim3A_289 : vector<16xi1>, vector<16xi32>
      %add3A_291 = arith.addi %add3A_272, %select_n3A_290 : vector<16xi32>
      %mul3A_292 = arith.constant 16 : i32
      %mul3A_293 = arith.muli %add3A_115, %mul3A_292 : i32
      %add3A_294 = arith.constant 16 : i32
      %add3A_295 = arith.addi %add3A_294, %mul3A_293 : i32
      %sub3A_296 = arith.constant 10 : i32
      %sub3A_297 = arith.subi %add3A_295, %sub3A_296 : i32
      %get3A_298 = arith.index_cast %sub3A_297 : i32 to index
      %get3A_299 = tpu.vector_load %arg9[%get3A_298] {strides = array<i32>} : memref<8208xi32, #tpu.memory_space<vmem>>, vector<16xi32>,
      %eq3A_300 = arith.cmpi eq, %get3A_120, %get3A_299 : vector<16xi32>
      %ge3A_301 = arith.constant 10 : i32
      %ge3A_302 = vector.broadcast %ge3A_301 : i32 to vector<16xi32>
      %ge3A_303 = arith.cmpi sge, %iota3A, %ge3A_302 : vector<16xi32>
      %and3A_304 = arith.andi %eq3A_300, %ge3A_303 : vector<16xi1>
      %jit3A_305 = arith.constant 1 : i32
      %jit3A_306 = arith.constant 0 : i32
      %broadcast_in_dim3A_307 = vector.broadcast %jit3A_305 : i32 to vector<16xi32>
      %broadcast_in_dim3A_308 = vector.broadcast %jit3A_306 : i32 to vector<16xi32>
      %select_n3A_309 = arith.select %and3A_304, %broadcast_in_dim3A_307, %broadcast_in_dim3A_308 : vector<16xi1>, vector<16xi32>
      %add3A_310 = arith.addi %add3A_291, %select_n3A_309 : vector<16xi32>
      %mul3A_311 = arith.constant 16 : i32
      %mul3A_312 = arith.muli %add3A_115, %mul3A_311 : i32
      %add3A_313 = arith.constant 16 : i32
      %add3A_314 = arith.addi %add3A_313, %mul3A_312 : i32
      %sub3A_315 = arith.constant 11 : i32
      %sub3A_316 = arith.subi %add3A_314, %sub3A_315 : i32
      %get3A_317 = arith.index_cast %sub3A_316 : i32 to index
      %get3A_318 = tpu.vector_load %arg9[%get3A_317] {strides = array<i32>} : memref<8208xi32, #tpu.memory_space<vmem>>, vector<16xi32>,
      %eq3A_319 = arith.cmpi eq, %get3A_120, %get3A_318 : vector<16xi32>
      %ge3A_320 = arith.constant 11 : i32
      %ge3A_321 = vector.broadcast %ge3A_320 : i32 to vector<16xi32>
      %ge3A_322 = arith.cmpi sge, %iota3A, %ge3A_321 : vector<16xi32>
      %and3A_323 = arith.andi %eq3A_319, %ge3A_322 : vector<16xi1>
      %jit3A_324 = arith.constant 1 : i32
      %jit3A_325 = arith.constant 0 : i32
      %broadcast_in_dim3A_326 = vector.broadcast %jit3A_324 : i32 to vector<16xi32>
      %broadcast_in_dim3A_327 = vector.broadcast %jit3A_325 : i32 to vector<16xi32>
      %select_n3A_328 = arith.select %and3A_323, %broadcast_in_dim3A_326, %broadcast_in_dim3A_327 : vector<16xi1>, vector<16xi32>
      %add3A_329 = arith.addi %add3A_310, %select_n3A_328 : vector<16xi32>
      %mul3A_330 = arith.constant 16 : i32
      %mul3A_331 = arith.muli %add3A_115, %mul3A_330 : i32
      %add3A_332 = arith.constant 16 : i32
      %add3A_333 = arith.addi %add3A_332, %mul3A_331 : i32
      %sub3A_334 = arith.constant 12 : i32
      %sub3A_335 = arith.subi %add3A_333, %sub3A_334 : i32
      %get3A_336 = arith.index_cast %sub3A_335 : i32 to index
      %get3A_337 = tpu.vector_load %arg9[%get3A_336] {strides = array<i32>} : memref<8208xi32, #tpu.memory_space<vmem>>, vector<16xi32>,
      %eq3A_338 = arith.cmpi eq, %get3A_120, %get3A_337 : vector<16xi32>
      %ge3A_339 = arith.constant 12 : i32
      %ge3A_340 = vector.broadcast %ge3A_339 : i32 to vector<16xi32>
      %ge3A_341 = arith.cmpi sge, %iota3A, %ge3A_340 : vector<16xi32>
      %and3A_342 = arith.andi %eq3A_338, %ge3A_341 : vector<16xi1>
      %jit3A_343 = arith.constant 1 : i32
      %jit3A_344 = arith.constant 0 : i32
      %broadcast_in_dim3A_345 = vector.broadcast %jit3A_343 : i32 to vector<16xi32>
      %broadcast_in_dim3A_346 = vector.broadcast %jit3A_344 : i32 to vector<16xi32>
      %select_n3A_347 = arith.select %and3A_342, %broadcast_in_dim3A_345, %broadcast_in_dim3A_346 : vector<16xi1>, vector<16xi32>
      %add3A_348 = arith.addi %add3A_329, %select_n3A_347 : vector<16xi32>
      %mul3A_349 = arith.constant 16 : i32
      %mul3A_350 = arith.muli %add3A_115, %mul3A_349 : i32
      %add3A_351 = arith.constant 16 : i32
      %add3A_352 = arith.addi %add3A_351, %mul3A_350 : i32
      %sub3A_353 = arith.constant 13 : i32
      %sub3A_354 = arith.subi %add3A_352, %sub3A_353 : i32
      %get3A_355 = arith.index_cast %sub3A_354 : i32 to index
      %get3A_356 = tpu.vector_load %arg9[%get3A_355] {strides = array<i32>} : memref<8208xi32, #tpu.memory_space<vmem>>, vector<16xi32>,
      %eq3A_357 = arith.cmpi eq, %get3A_120, %get3A_356 : vector<16xi32>
      %ge3A_358 = arith.constant 13 : i32
      %ge3A_359 = vector.broadcast %ge3A_358 : i32 to vector<16xi32>
      %ge3A_360 = arith.cmpi sge, %iota3A, %ge3A_359 : vector<16xi32>
      %and3A_361 = arith.andi %eq3A_357, %ge3A_360 : vector<16xi1>
      %jit3A_362 = arith.constant 1 : i32
      %jit3A_363 = arith.constant 0 : i32
      %broadcast_in_dim3A_364 = vector.broadcast %jit3A_362 : i32 to vector<16xi32>
      %broadcast_in_dim3A_365 = vector.broadcast %jit3A_363 : i32 to vector<16xi32>
      %select_n3A_366 = arith.select %and3A_361, %broadcast_in_dim3A_364, %broadcast_in_dim3A_365 : vector<16xi1>, vector<16xi32>
      %add3A_367 = arith.addi %add3A_348, %select_n3A_366 : vector<16xi32>
      %mul3A_368 = arith.constant 16 : i32
      %mul3A_369 = arith.muli %add3A_115, %mul3A_368 : i32
      %add3A_370 = arith.constant 16 : i32
      %add3A_371 = arith.addi %add3A_370, %mul3A_369 : i32
      %sub3A_372 = arith.constant 14 : i32
      %sub3A_373 = arith.subi %add3A_371, %sub3A_372 : i32
      %get3A_374 = arith.index_cast %sub3A_373 : i32 to index
      %get3A_375 = tpu.vector_load %arg9[%get3A_374] {strides = array<i32>} : memref<8208xi32, #tpu.memory_space<vmem>>, vector<16xi32>,
      %eq3A_376 = arith.cmpi eq, %get3A_120, %get3A_375 : vector<16xi32>
      %ge3A_377 = arith.constant 14 : i32
      %ge3A_378 = vector.broadcast %ge3A_377 : i32 to vector<16xi32>
      %ge3A_379 = arith.cmpi sge, %iota3A, %ge3A_378 : vector<16xi32>
      %and3A_380 = arith.andi %eq3A_376, %ge3A_379 : vector<16xi1>
      %jit3A_381 = arith.constant 1 : i32
      %jit3A_382 = arith.constant 0 : i32
      %broadcast_in_dim3A_383 = vector.broadcast %jit3A_381 : i32 to vector<16xi32>
      %broadcast_in_dim3A_384 = vector.broadcast %jit3A_382 : i32 to vector<16xi32>
      %select_n3A_385 = arith.select %and3A_380, %broadcast_in_dim3A_383, %broadcast_in_dim3A_384 : vector<16xi1>, vector<16xi32>
      %add3A_386 = arith.addi %add3A_367, %select_n3A_385 : vector<16xi32>
      %mul3A_387 = arith.constant 16 : i32
      %mul3A_388 = arith.muli %add3A_115, %mul3A_387 : i32
      %add3A_389 = arith.constant 16 : i32
      %add3A_390 = arith.addi %add3A_389, %mul3A_388 : i32
      %sub3A_391 = arith.constant 15 : i32
      %sub3A_392 = arith.subi %add3A_390, %sub3A_391 : i32
      %get3A_393 = arith.index_cast %sub3A_392 : i32 to index
      %get3A_394 = tpu.vector_load %arg9[%get3A_393] {strides = array<i32>} : memref<8208xi32, #tpu.memory_space<vmem>>, vector<16xi32>,
      %eq3A_395 = arith.cmpi eq, %get3A_120, %get3A_394 : vector<16xi32>
      %ge3A_396 = arith.constant 15 : i32
      %ge3A_397 = vector.broadcast %ge3A_396 : i32 to vector<16xi32>
      %ge3A_398 = arith.cmpi sge, %iota3A, %ge3A_397 : vector<16xi32>
      %and3A_399 = arith.andi %eq3A_395, %ge3A_398 : vector<16xi1>
      %jit3A_400 = arith.constant 1 : i32
      %jit3A_401 = arith.constant 0 : i32
      %broadcast_in_dim3A_402 = vector.broadcast %jit3A_400 : i32 to vector<16xi32>
      %broadcast_in_dim3A_403 = vector.broadcast %jit3A_401 : i32 to vector<16xi32>
      %select_n3A_404 = arith.select %and3A_399, %broadcast_in_dim3A_402, %broadcast_in_dim3A_403 : vector<16xi1>, vector<16xi32>
      %add3A_405 = arith.addi %add3A_386, %select_n3A_404 : vector<16xi32>
      %gather3A = tpu.vector_load_idx %arg11[%get3A_120] : memref<8192xi32, #tpu.memory_space<vmem>>[vector<16xi32>], vector<16xi32>,
      %add3A_406 = arith.addi %gather3A, %add3A_405 : vector<16xi32>
      tpu.vector_store_idx %arg12[%add3A_406], %get3A_124 : memref<8192xf32, #tpu.memory_space<vmem>>[vector<16xi32>], vector<16xf32>,
      tpu.vector_store_idx %arg11[%get3A_120], %broadcast_in_dim3A_88 {add = true} : memref<8192xi32, #tpu.memory_space<vmem>>[vector<16xi32>], vector<16xi32>,
    }
    %scan3A_105 = arith.constant 512 : i32
    "tpu.region"() ({
      %run_scoped3A = tpu.sem_alloc : memref<!tpu.dma_semaphore, #tpu.memory_space<semaphore_mem>>
      %dma_start3A_111 = arith.constant 0 : i32
      %dma_start3A_112 = tpu.memref_slice %arg7[%add3A, %dma_start3A_111] : memref<32x8192xf32, #tpu.memory_space<hbm>> -> memref<1x8192xf32, #tpu.memory_space<hbm>>
      %dma_start3A_113 = tpu.memref_squeeze %dma_start3A_112 : memref<1x8192xf32, #tpu.memory_space<hbm>> -> memref<8192xf32, #tpu.memory_space<hbm>>
      %dma_start3A_114 = arith.constant 0 : i32
      %dma_start3A_115 = tpu.memref_slice %arg7[%add3A, %dma_start3A_114] : memref<32x8192xf32, #tpu.memory_space<hbm>> -> memref<1x8192xf32, #tpu.memory_space<hbm>>
      %dma_start3A_116 = tpu.memref_squeeze %dma_start3A_115 : memref<1x8192xf32, #tpu.memory_space<hbm>> -> memref<8192xf32, #tpu.memory_space<hbm>>
      tpu.enqueue_dma source(%arg12 : memref<8192xf32, #tpu.memory_space<vmem>>) target(%dma_start3A_116 : memref<8192xf32, #tpu.memory_space<hbm>>) target_semaphore(%run_scoped3A : memref<!tpu.dma_semaphore, #tpu.memory_space<semaphore_mem>>)
      %dma_wait3A_117 = arith.constant 0 : i32
      %dma_wait3A_118 = tpu.memref_slice %arg7[%add3A, %dma_wait3A_117] : memref<32x8192xf32, #tpu.memory_space<hbm>> -> memref<1x8192xf32, #tpu.memory_space<hbm>>
      %dma_wait3A_119 = tpu.memref_squeeze %dma_wait3A_118 : memref<1x8192xf32, #tpu.memory_space<hbm>> -> memref<8192xf32, #tpu.memory_space<hbm>>
      %dma_wait3A_120 = arith.constant 0 : i32
      %dma_wait3A_121 = tpu.memref_slice %arg7[%add3A, %dma_wait3A_120] : memref<32x8192xf32, #tpu.memory_space<hbm>> -> memref<1x8192xf32, #tpu.memory_space<hbm>>
      %dma_wait3A_122 = tpu.memref_squeeze %dma_wait3A_121 : memref<1x8192xf32, #tpu.memory_space<hbm>> -> memref<8192xf32, #tpu.memory_space<hbm>>
      tpu.wait_dma2 semaphore(%run_scoped3A : memref<!tpu.dma_semaphore, #tpu.memory_space<semaphore_mem>>) src(%arg12 : memref<8192xf32, #tpu.memory_space<vmem>>) dst(%dma_wait3A_122 : memref<8192xf32, #tpu.memory_space<hbm>>)
      tpu.yield
    }) : () -> ()
    %scan3A_106 = arith.constant 0 : i32
    %scan3A_107 = arith.constant 16 : i32
    %scan3A_108 = arith.addi %scan3A_106, %scan3A_107 : i32
    %scan3A_109 = arith.constant 1 : i32
    scf.for %scan3A_111 = %scan3A_106 to %scan3A_108 step %scan3A_109  : i32 {
      %mul3A_112 = arith.constant 1 : i32
      %mul3A_113 = arith.muli %scan3A_111, %mul3A_112 : i32
      %add3A_114 = arith.constant 0 : i32
      %add3A_115 = arith.addi %add3A_114, %mul3A_113 : i32
      %rem3A = arith.constant 2 : i32
      %rem3A_116 = arith.remsi %add3A_115, %rem3A : i32
      %mul3A_117 = arith.constant 512 : i32
      %mul3A_118 = arith.muli %add3A_115, %mul3A_117 : i32
      %dma_wait3A_119 = arith.constant 0 : i32
      %dma_wait3A_120 = arith.constant 0 : i32
      %dma_wait3A_121 = tpu.memref_slice %arg13[%rem3A_116, %dma_wait3A_119, %dma_wait3A_120] : memref<2x512x64xf32, #tpu.memory_space<vmem>> -> memref<1x512x64xf32, #tpu.memory_space<vmem>>
      %dma_wait3A_122 = tpu.memref_squeeze %dma_wait3A_121 : memref<1x512x64xf32, #tpu.memory_space<vmem>> -> memref<512x64xf32, #tpu.memory_space<vmem>>
      %dma_wait3A_123 = tpu.memref_slice %arg8[%mul3A_118] : memref<8192xi32, #tpu.memory_space<vmem>> -> memref<512xi32, #tpu.memory_space<vmem>>
      %dma_wait3A_124 = arith.constant 0 : i32
      %dma_wait3A_125 = arith.constant 0 : i32
      %dma_wait3A_126 = tpu.memref_slice %arg2[%add3A, %dma_wait3A_124, %dma_wait3A_125] : memref<32x8192x64xf32, #tpu.memory_space<hbm>> -> memref<1x8192x64xf32, #tpu.memory_space<hbm>>
      %dma_wait3A_127 = tpu.memref_squeeze %dma_wait3A_126 : memref<1x8192x64xf32, #tpu.memory_space<hbm>> -> memref<8192x64xf32, #tpu.memory_space<hbm>>
      %dma_wait3A_128 = arith.constant 0 : i32
      %dma_wait3A_129 = arith.constant 0 : i32
      %dma_wait3A_130 = tpu.memref_slice %dma_wait3A_127[%dma_wait3A_128, %dma_wait3A_129] : memref<8192x64xf32, #tpu.memory_space<hbm>> -> memref<8192x64xf32, #tpu.memory_space<hbm>>
      %dma_wait3A_131 = tpu.memref_slice %arg15[%rem3A_116] : memref<2x!tpu.dma_semaphore, #tpu.memory_space<semaphore_mem>> -> memref<1x!tpu.dma_semaphore, #tpu.memory_space<semaphore_mem>>
      %dma_wait3A_132 = tpu.memref_squeeze %dma_wait3A_131 : memref<1x!tpu.dma_semaphore, #tpu.memory_space<semaphore_mem>> -> memref<!tpu.dma_semaphore, #tpu.memory_space<semaphore_mem>>
      tpu.wait_indirect_dma semaphore(%dma_wait3A_132 : memref<!tpu.dma_semaphore, #tpu.memory_space<semaphore_mem>>) src(%dma_wait3A_130 : memref<8192x64xf32, #tpu.memory_space<hbm>>) dst(%dma_wait3A_122 : memref<512x64xf32, #tpu.memory_space<vmem>>)
      %mul3A_133 = arith.constant 512 : i32
      %mul3A_134 = arith.muli %add3A_115, %mul3A_133 : i32
      "tpu.region"() ({
        %run_scoped3A = tpu.sem_alloc : memref<!tpu.dma_semaphore, #tpu.memory_space<semaphore_mem>>
        %dma_start3A_139 = arith.constant 0 : i32
        %dma_start3A_140 = arith.constant 0 : i32
        %dma_start3A_141 = tpu.memref_slice %arg13[%rem3A_116, %dma_start3A_139, %dma_start3A_140] : memref<2x512x64xf32, #tpu.memory_space<vmem>> -> memref<1x512x64xf32, #tpu.memory_space<vmem>>
        %dma_start3A_142 = tpu.memref_squeeze %dma_start3A_141 : memref<1x512x64xf32, #tpu.memory_space<vmem>> -> memref<512x64xf32, #tpu.memory_space<vmem>>
        %dma_start3A_143 = arith.constant 0 : i32
        %dma_start3A_144 = arith.constant 0 : i32
        %dma_start3A_145 = tpu.memref_slice %arg6[%add3A, %dma_start3A_143, %dma_start3A_144] : memref<32x8192x128xf32, #tpu.memory_space<hbm>> -> memref<1x8192x128xf32, #tpu.memory_space<hbm>>
        %dma_start3A_146 = tpu.memref_squeeze %dma_start3A_145 : memref<1x8192x128xf32, #tpu.memory_space<hbm>> -> memref<8192x128xf32, #tpu.memory_space<hbm>>
        %dma_start3A_147 = arith.constant 0 : i32
        %dma_start3A_148 = tpu.memref_slice %dma_start3A_146[%mul3A_134, %dma_start3A_147] : memref<8192x128xf32, #tpu.memory_space<hbm>> -> memref<512x64xf32, #tpu.memory_space<hbm>>
        %dma_start3A_149 = arith.constant 0 : i32
        %dma_start3A_150 = arith.constant 0 : i32
        %dma_start3A_151 = tpu.memref_slice %arg6[%add3A, %dma_start3A_149, %dma_start3A_150] : memref<32x8192x128xf32, #tpu.memory_space<hbm>> -> memref<1x8192x128xf32, #tpu.memory_space<hbm>>
        %dma_start3A_152 = tpu.memref_squeeze %dma_start3A_151 : memref<1x8192x128xf32, #tpu.memory_space<hbm>> -> memref<8192x128xf32, #tpu.memory_space<hbm>>
        %dma_start3A_153 = arith.constant 0 : i32
        %dma_start3A_154 = tpu.memref_slice %dma_start3A_152[%mul3A_134, %dma_start3A_153] : memref<8192x128xf32, #tpu.memory_space<hbm>> -> memref<512x64xf32, #tpu.memory_space<hbm>>
        %dma_start3A_155 = arith.constant 0 : i32
        %dma_start3A_156 = arith.constant 0 : i32
        %dma_start3A_157 = tpu.memref_slice %arg13[%rem3A_116, %dma_start3A_155, %dma_start3A_156] : memref<2x512x64xf32, #tpu.memory_space<vmem>> -> memref<1x512x64xf32, #tpu.memory_space<vmem>>
        %dma_start3A_158 = tpu.memref_squeeze %dma_start3A_157 : memref<1x512x64xf32, #tpu.memory_space<vmem>> -> memref<512x64xf32, #tpu.memory_space<vmem>>
        tpu.enqueue_dma source(%dma_start3A_158 : memref<512x64xf32, #tpu.memory_space<vmem>>) target(%dma_start3A_154 : memref<512x64xf32, #tpu.memory_space<hbm>>) target_semaphore(%run_scoped3A : memref<!tpu.dma_semaphore, #tpu.memory_space<semaphore_mem>>)
        %dma_wait3A_159 = arith.constant 0 : i32
        %dma_wait3A_160 = arith.constant 0 : i32
        %dma_wait3A_161 = tpu.memref_slice %arg13[%rem3A_116, %dma_wait3A_159, %dma_wait3A_160] : memref<2x512x64xf32, #tpu.memory_space<vmem>> -> memref<1x512x64xf32, #tpu.memory_space<vmem>>
        %dma_wait3A_162 = tpu.memref_squeeze %dma_wait3A_161 : memref<1x512x64xf32, #tpu.memory_space<vmem>> -> memref<512x64xf32, #tpu.memory_space<vmem>>
        %dma_wait3A_163 = arith.constant 0 : i32
        %dma_wait3A_164 = arith.constant 0 : i32
        %dma_wait3A_165 = tpu.memref_slice %arg6[%add3A, %dma_wait3A_163, %dma_wait3A_164] : memref<32x8192x128xf32, #tpu.memory_space<hbm>> -> memref<1x8192x128xf32, #tpu.memory_space<hbm>>
        %dma_wait3A_166 = tpu.memref_squeeze %dma_wait3A_165 : memref<1x8192x128xf32, #tpu.memory_space<hbm>> -> memref<8192x128xf32, #tpu.memory_space<hbm>>
        %dma_wait3A_167 = arith.constant 0 : i32
        %dma_wait3A_168 = tpu.memref_slice %dma_wait3A_166[%mul3A_134, %dma_wait3A_167] : memref<8192x128xf32, #tpu.memory_space<hbm>> -> memref<512x64xf32, #tpu.memory_space<hbm>>
        %dma_wait3A_169 = arith.constant 0 : i32
        %dma_wait3A_170 = arith.constant 0 : i32
        %dma_wait3A_171 = tpu.memref_slice %arg6[%add3A, %dma_wait3A_169, %dma_wait3A_170] : memref<32x8192x128xf32, #tpu.memory_space<hbm>> -> memref<1x8192x128xf32, #tpu.memory_space<hbm>>
        %dma_wait3A_172 = tpu.memref_squeeze %dma_wait3A_171 : memref<1x8192x128xf32, #tpu.memory_space<hbm>> -> memref<8192x128xf32, #tpu.memory_space<hbm>>
        %dma_wait3A_173 = arith.constant 0 : i32
        %dma_wait3A_174 = tpu.memref_slice %dma_wait3A_172[%mul3A_134, %dma_wait3A_173] : memref<8192x128xf32, #tpu.memory_space<hbm>> -> memref<512x64xf32, #tpu.memory_space<hbm>>
        %dma_wait3A_175 = arith.constant 0 : i32
        %dma_wait3A_176 = arith.constant 0 : i32
        %dma_wait3A_177 = tpu.memref_slice %arg13[%rem3A_116, %dma_wait3A_175, %dma_wait3A_176] : memref<2x512x64xf32, #tpu.memory_space<vmem>> -> memref<1x512x64xf32, #tpu.memory_space<vmem>>
        %dma_wait3A_178 = tpu.memref_squeeze %dma_wait3A_177 : memref<1x512x64xf32, #tpu.memory_space<vmem>> -> memref<512x64xf32, #tpu.memory_space<vmem>>
        tpu.wait_dma2 semaphore(%run_scoped3A : memref<!tpu.dma_semaphore, #tpu.memory_space<semaphore_mem>>) src(%dma_wait3A_178 : memref<512x64xf32, #tpu.memory_space<vmem>>) dst(%dma_wait3A_174 : memref<512x64xf32, #tpu.memory_space<hbm>>)
        tpu.yield
      }) : () -> ()
      %add3A_135 = arith.constant 2 : i32
      %add3A_136 = arith.addi %add3A_115, %add3A_135 : i32
      %lt3A = arith.constant 16 : i32
      %lt3A_137 = arith.cmpi slt, %add3A_136, %lt3A : i32
      %convert_element_type3A = arith.extui %lt3A_137 : i1 to i32
      %cond3A = arith.constant 0 : i32
      %cond3A_138 = arith.cmpi ne, %convert_element_type3A, %cond3A : i32
      scf.if %cond3A_138 {
        %add3A_139 = arith.constant 2 : i32
        %add3A_140 = arith.addi %add3A_115, %add3A_139 : i32
        %mul3A_141 = arith.constant 512 : i32
        %mul3A_142 = arith.muli %add3A_140, %mul3A_141 : i32
        %dma_start3A_143 = arith.constant 0 : i32
        %dma_start3A_144 = arith.constant 0 : i32
        %dma_start3A_145 = tpu.memref_slice %arg13[%rem3A_116, %dma_start3A_143, %dma_start3A_144] : memref<2x512x64xf32, #tpu.memory_space<vmem>> -> memref<1x512x64xf32, #tpu.memory_space<vmem>>
        %dma_start3A_146 = tpu.memref_squeeze %dma_start3A_145 : memref<1x512x64xf32, #tpu.memory_space<vmem>> -> memref<512x64xf32, #tpu.memory_space<vmem>>
        %dma_start3A_147 = tpu.memref_slice %arg8[%mul3A_142] : memref<8192xi32, #tpu.memory_space<vmem>> -> memref<512xi32, #tpu.memory_space<vmem>>
        %dma_start3A_148 = arith.constant 0 : i32
        %dma_start3A_149 = arith.constant 0 : i32
        %dma_start3A_150 = tpu.memref_slice %arg2[%add3A, %dma_start3A_148, %dma_start3A_149] : memref<32x8192x64xf32, #tpu.memory_space<hbm>> -> memref<1x8192x64xf32, #tpu.memory_space<hbm>>
        %dma_start3A_151 = tpu.memref_squeeze %dma_start3A_150 : memref<1x8192x64xf32, #tpu.memory_space<hbm>> -> memref<8192x64xf32, #tpu.memory_space<hbm>>
        %dma_start3A_152 = arith.constant 0 : i32
        %dma_start3A_153 = arith.constant 0 : i32
        %dma_start3A_154 = tpu.memref_slice %dma_start3A_151[%dma_start3A_152, %dma_start3A_153] : memref<8192x64xf32, #tpu.memory_space<hbm>> -> memref<8192x64xf32, #tpu.memory_space<hbm>>
        %dma_start3A_155 = tpu.memref_slice %arg15[%rem3A_116] : memref<2x!tpu.dma_semaphore, #tpu.memory_space<semaphore_mem>> -> memref<1x!tpu.dma_semaphore, #tpu.memory_space<semaphore_mem>>
        %dma_start3A_156 = tpu.memref_squeeze %dma_start3A_155 : memref<1x!tpu.dma_semaphore, #tpu.memory_space<semaphore_mem>> -> memref<!tpu.dma_semaphore, #tpu.memory_space<semaphore_mem>>
        tpu.enqueue_indirect_dma source(%dma_start3A_154 : memref<8192x64xf32, #tpu.memory_space<hbm>>) target(%dma_start3A_146 : memref<512x64xf32, #tpu.memory_space<vmem>>) offsets(%dma_start3A_147 : memref<512xi32, #tpu.memory_space<vmem>>) semaphore(%dma_start3A_156 : memref<!tpu.dma_semaphore, #tpu.memory_space<semaphore_mem>>)
      } else {
      }
    }
    %scan3A_110 = arith.constant 16 : i32
    return
  }
}

</mosaic_0001>

<sc_bundles>
// kernel: kernel.3.cloned.1.call-start
scs
__scs_entry_jumppad:
0x0: {  	(pc) =	sbr.rel $0x88, $3  }
0x1: {  	(tag) =	ssettag $0x0;
	lr =	simm.s32 $0x1  }
0x2: {  	[smem:$0x3F9D] =	sst lr;
	_ =	strace $0xD0000000  }
0x3: {  	_ = 	snop  }
0x4: {  	_ = 	snop  }
0x5: {  	_ = 	snop  }
0x6: {  	_ = 	snop  }
0x7: {  	_ = 	snop  }
__scs_overlays_trampoline_lowered:
0x8: {  	[smem:$0x3FAC] =	sst s0  }
0x9: {  	[smem:$0x3FAD] =	sst s1  }
0xa: {  	[smem:$0x3FAE] =	sst s2  }
0xb: {  	[smem:$0x3FAF] =	sst s3  }
0xc: {  	[smem:$0x3FB0] =	sst s4  }
0xd: {  	[smem:$0x3FB1] =	sst s5  }
0xe: {  	[smem:$0x3FB2] =	sst s6  }
0xf: {  	[smem:$0x3FB3] =	sst s7  }
0x10: {  	[smem:$0x3FB4] =	sst s8  }
0x11: {  	[smem:$0x3FB5] =	sst s9;
	s0 =	simm.s32 @!p0 $0x0  }
0x12: {  	s1 =	sld [smem:$0x3F9B];
	s0 =	simm.s32 @p0 $0x1  }
0x13: {  	[smem:$0x3FB6] =	sst s0;
	s0 =	simm.s32 @!p1 $0x0  }
0x14: {  	s2 =	sld [smem:$0x3F9A];
	s0 =	simm.s32 @p1 $0x1  }
0x15: {  	[smem:$0x3FB7] =	sst s0;
	s0 =	simm.s32 @!p2 $0x0  }
0x16: {  	s3 =	sld [smem:$0x3FDB];
	s0 =	simm.s32 @p2 $0x1  }
0x17: {  	s4 =	simm.s32 $0x1BF5;
	[smem:$0x3FB9] =	sst s0  }
0x18: {  	s0 =	sld [smem:$0x3F9C];
	_ =	swait.ge [sflag:s4], $0x0  }
0x19: {  	s7 =	sld [smem:$0x3F9D]  }
0x1a: {  	s8 =	sadd.s32 $0xFFFFE003, lr  }
0x1b: {  	s9 =	sadd.s32 $0xFFFFFEF7, lr;
	s5 =	simm.s32 $0xFFFFFFFF;
	p2 =	slt.u32 s8, $0xFFFFF086  }
0x1c: {  	p1 =	slt.u32 s9, $0xF7A;
	s5 =	simm.s32 @!p2 $0x0  }
0x1d: {  	s5 =	simm.s32 @p1 $0x1;
	p0 =	seq.s32 s7, s2  }
0x1e: {  	s7 =	smul.u32 @!p0 $0xF7A, s2;
	p2 =	seq.s32 @!p0 s5, $0x0  }
0x1f: {  	s9 =	smul.u32 $0xF7A, s1;
	s8 =	simm.s32 @!p0 $0x1BF5;
	p2 =	por !p2, p0  }
0x20: {  	[sflag:s8] =	ssyncset.s32 @!p0 $0xFFFFF086;
	s6 =	sadd.s32 @!p0 s3, s7;
	s7 =	simm.s32 @!p0 $0x108  }
0x21: {  	s3 =	sadd.s32 s3, s9;
	s6 =	sadd.s32 @!p0 $0x88, s6;
	s7 =	simm.s32 @p2 $0x1082  }
0x22: {  	[simem:s7], [sflag:s8] =	dma.local @!p0 [hbm:s6], $0xF7A  }
0x23: {  	s9 =	sor.u32 $0xD0000000, s2;
	s6 =	simm.s32 $0x108;
	_ =	swait.ge @!p0 [sflag:s8], $0x0  }
0x24: {  	s3 =	sadd.s32 $0x88, s3;
	s6 =	simm.s32 @!p1 $0x1082;
	[sflag:s4] =	ssyncset.s32 $0xFFFFF086  }
0x25: {  	[simem:s6], [sflag:s4] =	dma.local [hbm:s3], $0xF7A  }
0x26: {  	[smem:$0x3F9D] =	sst s1;
	(tag) =	ssettag s2;
	_ =	strace s9  }
0x27: {  	s1 =	sld [smem:$0x3FAD]  }
0x28: {  	s2 =	sld [smem:$0x3FAE]  }
0x29: {  	s4 =	sld [smem:$0x3FB0]  }
0x2a: {  	p0 =	seq.s32 s5, $0x0;
	s5 =	sld [smem:$0x3FB1]  }
0x2b: {  	s6 =	sld [smem:$0x3FB2]  }
0x2c: {  	s7 =	sld [smem:$0x3FB3]  }
0x2d: {  	s3 =	simm.s32 $0x108;
	s8 =	sld [smem:$0x3FB4]  }
0x2e: {  	s3 =	simm.s32 @!p0 $0x1082;
	s9 =	sld [smem:$0x3FB5]  }
0x2f: {  	lr =	sadd.s32 s0, s3;
	s0 =	sld [smem:$0x3FAC]  }
0x30: {  	s3 =	sld [smem:$0x3FAF]  }
0x31: {  	[smem:$0x3FB8] =	sst s10  }
0x32: {  	s10 =	sld [smem:$0x3FB6];
	_ =	sdelay $0x3  }
0x33: {  	p0 =	seq.s32 s10, $0x1;
	s10 =	sld [smem:$0x3FB8];
	_ =	sdelay $0x3  }
0x34: {  	[smem:$0x3FB8] =	sst s10  }
0x35: {  	s10 =	sld [smem:$0x3FB7];
	_ =	sdelay $0x3  }
0x36: {  	p1 =	seq.s32 s10, $0x1;
	s10 =	sld [smem:$0x3FB8];
	_ =	sdelay $0x3  }
0x37: {  	[smem:$0x3FB8] =	sst s10  }
0x38: {  	s10 =	sld [smem:$0x3FB9]  }
0x39: {  	_ = 	snop;
	(pc) =	sbr.ind lr, $3  }
0x3a: {  	_ = 	snop  }
0x3b: {  	_ = 	snop  }
0x3c: {  	p2 =	seq.s32 s10, $0x1;
	s10 =	sld [smem:$0x3FB8]  }
0x3d: {  	_ =	shalt  }
0x3e: {  	_ =	shalt  }
0x3f: {  	_ =	shalt  }
0x40: {  	_ =	shalt  }
0x41: {  	_ =	shalt  }
0x42: {  	_ =	shalt  }
0x43: {  	_ =	shalt  }
0x44: {  	_ =	shalt  }
0x45: {  	_ =	shalt  }
0x46: {  	_ =	shalt  }
0x47: {  	_ =	shalt  }
0x48: {  	_ =	shalt  }
0x49: {  	_ =	shalt  }
0x4a: {  	_ =	shalt  }
0x4b: {  	_ =	shalt  }
0x4c: {  	_ =	shalt  }
0x4d: {  	_ =	shalt  }
0x4e: {  	_ =	shalt  }
0x4f: {  	_ =	shalt  }
0x50: {  	_ =	shalt  }
0x51: {  	_ =	shalt  }
0x52: {  	_ =	shalt  }
0x53: {  	_ =	shalt  }
0x54: {  	_ =	shalt  }
0x55: {  	_ =	shalt  }
0x56: {  	_ =	shalt  }
0x57: {  	_ =	shalt  }
0x58: {  	_ =	shalt  }
0x59: {  	_ =	shalt  }
0x5a: {  	_ =	shalt  }
0x5b: {  	_ =	shalt  }
0x5c: {  	_ =	shalt  }
0x5d: {  	_ =	shalt  }
0x5e: {  	_ =	shalt  }
0x5f: {  	_ =	shalt  }
0x60: {  	_ =	shalt  }
0x61: {  	_ =	shalt  }
0x62: {  	_ =	shalt  }
0x63: {  	_ =	shalt  }
0x64: {  	_ =	shalt  }
0x65: {  	_ =	shalt  }
0x66: {  	_ =	shalt  }
0x67: {  	_ =	shalt  }
0x68: {  	_ =	shalt  }
0x69: {  	_ =	shalt  }
0x6a: {  	_ =	shalt  }
0x6b: {  	_ =	shalt  }
0x6c: {  	_ =	shalt  }
0x6d: {  	_ =	shalt  }
0x6e: {  	_ =	shalt  }
0x6f: {  	_ =	shalt  }
0x70: {  	_ =	shalt  }
0x71: {  	_ =	shalt  }
0x72: {  	_ =	shalt  }
0x73: {  	_ =	shalt  }
0x74: {  	_ =	shalt  }
0x75: {  	_ =	shalt  }
0x76: {  	_ =	shalt  }
0x77: {  	_ =	shalt  }
0x78: {  	_ =	shalt  }
0x79: {  	_ =	shalt  }
0x7a: {  	_ =	shalt  }
0x7b: {  	_ =	shalt  }
0x7c: {  	_ =	shalt  }
0x7d: {  	_ =	shalt  }
0x7e: {  	_ =	shalt  }
0x7f: {  	_ =	shalt  }
0x80: {  	_ =	shalt  }
0x81: {  	_ =	shalt  }
0x82: {  	_ =	shalt  }
0x83: {  	_ =	shalt  }
0x84: {  	_ =	shalt  }
0x85: {  	_ =	shalt  }
0x86: {  	_ =	shalt  }
0x87: {  	_ =	shalt  }
.Lfunc_end0:
.L_simem_size_0:
called_computation.1_lowered:
.L_overlay_start_0:
0x88: {  	s2 =	sld [smem:$0x3FD9]  }
0x89: {  	s3 =	sld [smem:$0x3FFE];
	_ =	sdelay $0x1  }
0x8a: {  	s1 =	srdreg.scid  }
0x8b: {  	s0 =	sand.u32 $0x1, s1  }
0x8c: {  	s14 =	sshll.u32 s0, $0xA;
	s2 =	sadd.s32 s3, s2  }
0x8d: {  	s2 =	sadd.s32 s2, s14  }
0x8e: {  	[smem:$0x3FC4] =	sst s2  }
0x8f: {  	_ = 	snop  }
0x90: {  	s2 =	sld [smem:$0x3FD0];
	_ =	sdelay $0x2  }
0x91: {  	s15 =	simm.s32 $0xA;
	s4 =	simm.s32 $0x10  }
0x92: {  	[smem:s4], [sflag:s15] =	dma.local [hbm:s2], $0x1  }
0x93: {  	_ =	swait.eq [sflag:s15], $0x1  }
0x94: {  	[sflag:s15] =	ssyncset.done $0x0  }
0x95: {  	s16 =	sld [smem:$0x10];
	[sflag:s15] =	ssyncadd.s32 $0xFFFFFFFF  }
0x96: {  	s17 =	sld [smem:$0x11];
	(tm) =	ssettm $0x1  }
0x97: {  	s18 =	sld [smem:$0x3FFB];
	_ =	sdelay $0x3  }
0x98: {  	_ =	strace s18  }
0x99: {  	s4 =	sld [smem:$0x3FFC];
	_ =	sdelay $0x3  }
0x9a: {  	_ =	strace s4  }
0x9b: {  	s4 =	sld [smem:$0x3FFD];
	_ =	sdelay $0x3  }
0x9c: {  	_ =	strace s4  }
0x9d: {  	_ =	strace $0x8FFFFFFF  }
0x9e: {  	s19 =	sld [smem:$0x3FDB];
	_ =	sdelay $0x1  }
0x9f: {  	s5 =	simm.s32 $_scs_section_size  }
0xa0: {  	s6 =	simm.s32 $_size__tile_overlayer_lowered;
	s7 =	simm.s32 $_tile_overlayer_lowered  }
0xa1: {  	s22 =	simm.s32 $0x1BFF;
	s21 =	sshll.u32 s7, $0x1;
	s4 =	sadd.s32 s5, s19  }
0xa2: {  	s8 =	simm.s32 $0x0;
	s20 =	sshll.u32 s6, $0x1;
	s6 =	sadd.s32 s21, s4  }
0xa3: {  	[timem:s8], [sflag:s22] =	dma.local [hbm:s6], s20  }
0xa4: {  	_ =	swait.ge [sflag:s22], s20  }
0xa5: {  	s5 =	ssub.s32 $0x0, s20;
	[sflag:s22] =	ssyncset.done $0x0  }
0xa6: {  	[sflag:s22] =	ssyncadd.s32 s5;
	_ =	sdelay $0x1  }
0xa7: {  	s23 =	simm.s32 $0x1B8B  }
0xa8: {  	_ =	swait.ge [sflag:s23], $0x1  }
0xa9: {  	[sflag:s23] =	ssyncset.done $0x0  }
0xaa: {  	s25 =	simm.s32 $0x1B8E;
	s24 =	sld [smem:$0x3FFE];
	[sflag:s23] =	ssyncadd.s32 $0xFFFFFFFF  }
0xab: {  	s26 =	simm.s32 $execute0_lowered;
	[smem:$0x3FD2] =	sst s25  }
0xac: {  	s6 =	sshll.u32 s26, $0x1;
	_ =	strace $0x80000046;
	[dreg:$0x1] =	wrdreg $0xFFFFFFFF  }
0xad: {  	s28 =	simm.s32 $_size_execute0_lowered;
	s4 =	sadd.s32 s4, s6;
	[dreg:$0x0] =	wrdreg $0x0  }
0xae: {  	s6 =	sshll.u32 s28, $0x1;
	[dreg:$0x2] =	wrdreg s4  }
0xaf: {  	[dreg:$0x3] =	wrdreg s6  }
0xb0: {  	[dreg:$0x4] =	wrdreg $0xC0  }
0xb1: {  	_ =	task [dreg:s8], $0x5FFFF  }
0xb2: {  	[dreg:$0x1] =	wrdreg $0xFFFFFFFF  }
0xb3: {  	[dreg:$0x0] =	wrdreg $0x60  }
0xb4: {  	[dreg:$0x2] =	wrdreg s16  }
0xb5: {  	[dreg:$0x3] =	wrdreg s17  }
0xb6: {  	[dreg:$0x4] =	wrdreg s24  }
0xb7: {  	[dreg:$0x5] =	wrdreg $0x9  }
0xb8: {  	_ =	task.clear_ibuf [dreg:s8], $0x6FFFF;
	_ =	strace $0x90000046  }
0xb9: {  	s29 =	simm.s32 $0x9;
	_ =	strace $0x80000048  }
0xba: {  	_ =	swait.ge [sflag:s29], $0x1  }
0xbb: {  	[sflag:s29] =	ssyncadd.s32 $0xFFFFFFFF  }
0xbc: {  	_ =	strace $0x90000048  }
0xbd: {  	_ =	sfence  }
0xbe: {  	s30 =	sld [smem:$0x0];
	_ =	sdelay $0x2  }
0xbf: {  	s31 =	sshll.u32 s1, $0xD;
	s1 =	sshrl.u32 s1, $0x2  }
0xc0: {  	s3 =	sand.u32 $0x4000, s31;
	s1 =	sadd.s32 s1, s30  }
0xc1: {  	s0 =	sor.u32 s3, s0;
	s1 =	sshll.u32 s1, $0x11  }
0xc2: {  	s0 =	sor.u32 s1, s0  }
0xc3: {  	s0 =	sadd.s32 $0x8F2B, s0  }
0xc4: {  	[sflag:s0] =	ssyncadd.remote.s32 $0x1  }
0xc5: {  	_ =	sfence.sel $0xFFFF  }
0xc6: {  	[dreg:$0x0] =	wrdreg $0xFFFFFFFF;
	(pc) =	sbr.abs _section_cstart, $3  }
0xc7: {  	[dreg:$0x1] =	wrdreg $0xFFFFFFFF  }
0xc8: {  	_ =	task.clear_ibuf [dreg:s8], $0x2FFFF;
	_ =	strace $0x9FFFFFFF  }
0xc9: {  	(tm) =	ssettm $0x7FFFFFFF  }
tec
execute0_lowered:
.L_overlay_start_1:
0x0: {  	(tag) =	ssettag $0x1  }
0x1: {  	s0 =	rddreg [dreg:$0x0]  }
0x2: {  	s1 =	rddreg [dreg:$0x1]  }
0x3: {  	s3 =	rddreg [dreg:$0x2];
	s2 =	simm.s32 $0x0  }
0x4: {  	s4 =	srdreg.scid;
	s5 =	stileid.u32;
	s11 =	simm.s32 $0x4010  }
0x5: {  	s12 =	simm.s32 $0x1;
	s13 =	simm.s32 $0x200;
	s14 =	simm.s32 $0xA010  }
0x6: {  	s15 =	simm.s32 $0x12010;
	s16 =	simm.s32 $0x6010;
	s17 =	simm.s32 $0x8010  }
0x7: {  	s18 =	simm.s32 $0x4;
	s19 =	simm.s32 $0x40;
	s20 =	simm.s32 $0x80  }
0x8: {  	[smem:$0x7FF] =	sst s2;
	s4 =	sand.u32 $0x1, s4;
	s5 =	sshll.u32 s5, $0x1  }
0x9: {  	s21 =	simm.s32 $0x0;
	_ =	strace $0x80000047;
	s5 =	sor.u32 s4, s5  }
0xa: {  	v0 =	vimm.s32 $0xFFFFFFFF;
	v1 =	vimm.s32 $0x0;
	s4 =	ssub.s32 $0x2, s4;
	s6 =	sshll.u32 s5, $0x11;
	s7 =	sshll.u32 s5, $0xA  }
0xb: {  	v2 =	vimm.s32 $0x1;
	vm3 =	vcmask $0x3F04;
	vm4 =	vcmask $0x3F0C;
	s30 =	sshrl.u32 s4, $0x1;
	s31 =	sshll.u32 s5, $0x10;
	s8 =	sadd.s32 s6, s3  }
0xc: {  	vm7 =	vcmask $0x3F14;
	vm0 =	vcmask $0x3F1C;
	vm13 =	vcmask $0x3F24;
	s9 =	sadd.s32 s7, s3;
	s10 =	ssub.s32 s4, s30;
	s5 =	sadd.s32 s1, s7  }
0xd: {  	vm12 =	vcmask $0x3F28;
	vm14 =	vcmask $0x3F2C;
	vm11 =	vcmask $0x3F30;
	s6 =	sadd.s32 s0, s31;
	s3 =	sadd.s32 $0xE00, s9;
	s4 =	sadd.s32 $0x8E00, s9  }
0xe: {  	vm9 =	vcmask $0x3F34;
	vm6 =	vcmask $0x3F38;
	vm8 =	vcmask $0x3F3C;
	s7 =	sadd.s32 $0x10E00, s9;
	s8 =	sadd.s32 $0x18E00, s8;
	s9 =	smax.u32 s10, $0x1  }
.LBB2_1:
0xf: {  	[tilespmem:s2], [sflag:$0x1] =	stream.linear.gather [hbm4b:s3+s2], $0x2000, $0x38;
	[tilespmem:$0x1A010] =	vst v63  }
0x10: {  	s0 =	simm.s32 $0x2010  }
0x11: {  	[tilespmem:s0], [sflag:$0x1] =	stream.linear.gather [hbm4b:s4+s2], $0x2000, $0x38;
	[tilespmem:$0x1A010] =	vst v63  }
0x12: {  	_ = 	snop  }
0x13: {  	[tilespmem:s11], [sflag:$0x1] =	stream.linear.gather [hbm4b:s5+s2], $0x2000, $0x38;
	[tilespmem:$0x1A010] =	vst v63  }
0x14: {  	[tilespmem:$0x2000] =	vst v0  }
0x15: {  	_ =	swait.ge [sflag:s12], $0x2000  }
0x16: {  	[sflag:s12] =	ssyncset.done $0x0  }
0x17: {  	[sflag:s12] =	ssyncadd.s32 $0xFFFFE000  }
0x18: {  	_ =	swait.ge [sflag:s12], $0x2000  }
0x19: {  	[sflag:s12] =	ssyncset.done $0x0  }
0x1a: {  	[sflag:s12] =	ssyncadd.s32 $0xFFFFE000  }
0x1b: {  	_ =	swait.ge [sflag:s12], $0x2000  }
0x1c: {  	[sflag:s12] =	ssyncset.done $0x0  }
0x1d: {  	s22 =	simm.s32 $0x0;
	s0 =	simm.s32 $0x40;
	[sflag:s12] =	ssyncadd.s32 $0xFFFFE000  }
.LBB2_2:
0x1e: {  	p0 =	sne.s32 s0, $0x7FC0;
	[tilespmem:s22+$0x6010] =	vst v1;
	s1 =	smov.u32 s0;
	s0 =	sadd.s32 $0x40, s0  }
.Ltmp0:
0x1f: {  	(pc) =	sbr.rel @p0 .LBB2_2-.Ltmp0, $2  }
0x20: {  	_ =	sdelay $0x2  }
0x21: {  	s22 =	sshra.s32 s1, $0x2  }
0x22: {  	[tilespmem:s22+$0x6010] =	vst v1;
	s22 =	simm.s32 $0x0  }
0x23: {  	[tilespmem:s14], [sflag:$0x2] =	stream.indirect.gather [hbm4b:s6+s13], $0x40, s22, s13, $0xb8;
	[tilespmem:$0x1A010] =	vst v63  }
0x24: {  	s23 =	simm.s32 $0x0;
	s0 =	simm.s32 $0x40  }
0x25: {  	[tilespmem:s15], [sflag:$0x3] =	stream.indirect.gather [hbm4b:s6+s13], $0x40, s13, s13, $0xb8;
	[tilespmem:$0x1A010] =	vst v63  }
.LBB2_4:
0x26: {  	p0 =	sne.s32 s0, $0x7FC0;
	v3 =	vld [tilespmem:s23+$0x2010];
	_ =	sdelay $0x3  }
.Ltmp1:
0x27: {  	(pc) =	sbr.rel @p0 .LBB2_4-.Ltmp1, $2  }
0x28: {  	_ =	sdelay $0x2  }
0x29: {  	s23 =	sshra.s32 s0, $0x2;
	s0 =	sadd.s32 $0x40, s0;
	[tilespmem:v3+s16+$0x0] =	vst.idx.add.s32.msk $0xffff, v2  }
0x2a: {  	v3 =	vld [tilespmem:s23+$0x2010];
	_ =	sdelay $0x7  }
0x2b: {  	s0 =	simm.s32 $0x0;
	[tilespmem:v3+s16+$0x0] =	vst.idx.add.s32.msk $0xffff, v2  }
0x2c: {  	v3 =	vld [tilespmem:s0+$0x6010];
	_ =	sdelay $0x4  }
0x2d: {  	(xrf0) =	vadd.scan.msk.s32 $0xffff, v3;
	_ =	sdelay $0x5  }
0x2e: {  	v4, _, _ =	vpop (xrf0)  }
0x2f: {  	(v2sf) =	vpush v4, $0xF  }
0x30: {  	v3 =	vsub.s32 s22, v3  }
0x31: {  	v3 =	vadd.s32 v4, v3  }
0x32: {  	s23 =	simm.s32 $0x10;
	s24 =	simm.s32 $0x80;
	[tilespmem:s0+$0x6010] =	vst v3  }
.LBB2_6:
0x33: {  	p0 =	sne.s32 s24, $0x7FC0;
	v3 =	vld [tilespmem:s23+$0x6010];
	_ =	sdelay $0x4  }
0x34: {  	(xrf0) =	vadd.scan.msk.s32 $0xffff, v3;
	_ =	sdelay $0x5  }
.Ltmp2:
0x35: {  	v4, _, _ =	vpop (xrf0);
	s0 =	spop (v2sf);
	(pc) =	sbr.rel @p0 .LBB2_6-.Ltmp2, $4  }
0x36: {  	(v2sf) =	vpush v4, $0xF;
	s22 =	sadd.s32 s22, s0  }
0x37: {  	v3 =	vsub.s32 s22, v3  }
0x38: {  	v3 =	vadd.s32 v4, v3  }
0x39: {  	[tilespmem:s23+$0x6010] =	vst v3;
	s23 =	sshra.s32 s24, $0x2;
	s24 =	sadd.s32 $0x40, s24  }
0x3a: {  	_ =	sdelay $0x1  }
0x3b: {  	v3 =	vld [tilespmem:s23+$0x6010];
	_ =	sdelay $0x4  }
0x3c: {  	(xrf0) =	vadd.scan.msk.s32 $0xffff, v3;
	_ =	sdelay $0x3  }
0x3d: {  	s0 =	spop (v2sf)  }
0x3e: {  	s0 =	sadd.s32 s22, s0  }
0x3f: {  	v4, _, _ =	vpop (xrf0);
	v3 =	vsub.s32 s0, v3  }
0x40: {  	v3 =	vadd.s32 v4, v3  }
0x41: {  	s22 =	simm.s32 $0x0;
	[tilespmem:s23+$0x6010] =	vst v3  }
0x42: {  	v5 =	vld [tilespmem:s22+$0x200D]  }
0x43: {  	v3 =	vld [tilespmem:s22+$0x2010]  }
0x44: {  	v6 =	vld [tilespmem:s22+$0x200F]  }
0x45: {  	v7 =	vld [tilespmem:s22+$0x200E]  }
0x46: {  	v8 =	vld [tilespmem:s22+$0x200A]  }
0x47: {  	v9 =	vld [tilespmem:s22+$0x200C]  }
0x48: {  	vm2 =	vcmask $0x3F08;
	vm15 =	veq.s32 v3, v5  }
0x49: {  	(v2sf) =	vpush v4, $0xF;
	v10 =	vld [tilespmem:s22+$0x200B];
	vm1 =	veq.s32 v3, v6;
	vm15 =	vmand vm15, vm4  }
0x4a: {  	vm10 =	veq.s32 v3, v7;
	v6 =	vld [tilespmem:s22+$0x2009];
	v5 =	vsel vm15, $0x1, v1;
	vm15 =	vmand vm1, vm3  }
0x4b: {  	v4 =	vld [tilespmem:s22+$0x2008];
	vm1 =	vmand vm10, vm2;
	vm2 =	vcmask $0x3F18;
	v7 =	vsel vm15, $0x1, v1  }
0x4c: {  	vm15 =	veq.s32 v3, v8;
	v11 =	vsel vm1, $0x1, v1;
	vm1 =	veq.s32 v3, v9  }
0x4d: {  	v8 =	vld [tilespmem:s22+$0x2007];
	vm15 =	vmand vm15, vm2;
	vm2 =	vcmask $0x3F10;
	v7 =	vadd.s32 v7, v11  }
0x4e: {  	v9 =	vsel vm15, $0x1, v1;
	vm15 =	veq.s32 v3, v10;
	v10 =	vld [tilespmem:s22+$0x2006];
	vm1 =	vmand vm1, vm2  }
0x4f: {  	vm10 =	veq.s32 v3, v6;
	v5 =	vadd.s32 v5, v7;
	vm2 =	vcmask $0x3F20  }
0x50: {  	v6 =	vld [tilespmem:s22+$0x2004];
	vm15 =	vmand vm15, vm7;
	v12 =	vsel vm1, $0x1, v1;
	vm1 =	veq.s32 v3, v4  }
0x51: {  	v11 =	vld [tilespmem:s22+$0x2005];
	vm0 =	vmand vm10, vm0;
	v4 =	vsel vm15, $0x1, v1;
	vm15 =	vmand vm1, vm2  }
0x52: {  	v5 =	vadd.s32 v12, v5;
	v7 =	vsel vm15, $0x1, v1;
	vm15 =	veq.s32 v3, v8  }
0x53: {  	v13 =	vld [tilespmem:s22+$0x2003];
	v8 =	vsel vm0, $0x1, v1;
	v4 =	vadd.s32 v4, v5;
	vm0 =	veq.s32 v3, v10  }
0x54: {  	vm15 =	vmand vm15, vm13;
	v4 =	vadd.s32 v9, v4;
	vm0 =	vmand vm0, vm12  }
0x55: {  	v10 =	vsel vm0, $0x1, v1;
	vm0 =	veq.s32 v3, v6;
	v6 =	vadd.s32 v8, v4;
	v4 =	vld [tilespmem:s22+$0x2001]  }
0x56: {  	v5 =	vsel vm15, $0x1, v1;
	vm15 =	veq.s32 v3, v11;
	v7 =	vadd.s32 v7, v6;
	v6 =	vld [tilespmem:s22+$0x2002]  }
0x57: {  	vm15 =	vmand vm15, vm14  }
0x58: {  	vm1 =	veq.s32 v3, v13;
	v8 =	vsel vm15, $0x1, v1;
	v5 =	vadd.s32 v5, v7  }
0x59: {  	vm15 =	vmand vm1, vm9;
	vm0 =	vmand vm0, vm11;
	v10 =	vadd.s32 v10, v5;
	v5 =	vld.idx.msk [tilespmem:v3+s16+$0x0], $0xffff  }
0x5a: {  	s23 =	simm.s32 $0x40;
	s31 =	spop (v2sf);
	v9 =	vsel vm0, $0x1, v1;
	v7 =	vsel vm15, $0x1, v1  }
.LBB2_8:
0x5b: {  	p0 =	sne.s32 s23, $0x7FC0;
	v8 =	vadd.s32 v8, v10;
	vm15 =	veq.s32 v3, v6;
	vm0 =	veq.s32 v3, v4;
	s0 =	smov.u32 s23;
	s23 =	sadd.s32 $0x40, s23  }
0x5c: {  	v4 =	vadd.s32 v9, v8;
	vm15 =	vmand vm15, vm6;
	vm0 =	vmand vm0, vm8  }
0x5d: {  	v4 =	vadd.s32 v7, v4;
	v6 =	vsel vm15, $0x1, v1  }
0x5e: {  	v7 =	vsel vm0, $0x1, v1;
	v4 =	vadd.s32 v5, v4  }
0x5f: {  	v5 =	vld [tilespmem:s22+$0x4010];
	v4 =	vadd.s32 v6, v4  }
0x60: {  	v4 =	vadd.s32 v7, v4;
	_ =	sdelay $0x1  }
0x61: {  	s22 =	sshra.s32 s0, $0x2;
	_ =	sdelay $0x2  }
0x62: {  	[tilespmem:v4+s17+$0x0] =	vst.idx.msk $0xffff, v5  }
0x63: {  	[tilespmem:v3+s16+$0x0] =	vst.idx.add.s32.msk $0xffff, v2  }
0x64: {  	v4 =	vld [tilespmem:s22+$0x200B]  }
0x65: {  	v5 =	vld [tilespmem:s22+$0x200D]  }
0x66: {  	v6 =	vld [tilespmem:s22+$0x200E]  }
0x67: {  	v3 =	vld [tilespmem:s22+$0x2010]  }
0x68: {  	v7 =	vld [tilespmem:s22+$0x200F];
	_ =	sdelay $0x2  }
0x69: {  	vm10 =	vmmov vm8;
	vm13 =	vmmov vm7;
	vm8 =	vmmov vm6;
	v8 =	vld [tilespmem:s22+$0x200A]  }
0x6a: {  	vm6 =	vmmov vm9;
	vm9 =	vcmask $0x3F08;
	v9 =	vld [tilespmem:s22+$0x200C];
	vm0 =	veq.s32 v3, v6  }
0x6b: {  	vm15 =	veq.s32 v3, v5;
	vm1 =	veq.s32 v3, v4;
	vm2 =	veq.s32 v3, v7  }
0x6c: {  	v10 =	vld [tilespmem:s22+$0x2007];
	vm0 =	vmand vm0, vm9;
	vm15 =	vmand vm15, vm4;
	vm1 =	vmand vm1, vm7  }
0x6d: {  	v4 =	vld [tilespmem:s22+$0x2008];
	vm9 =	vmmov vm4;
	vm7 =	vmmov vm3;
	vm2 =	vmand vm2, vm3  }
0x6e: {  	v5 =	vld [tilespmem:s22+$0x2009];
	v6 =	vsel vm15, $0x1, v1;
	vm15 =	veq.s32 v3, v8;
	v8 =	vsel vm0, $0x1, v1  }
0x6f: {  	v7 =	vsel vm2, $0x1, v1;
	vm0 =	veq.s32 v3, v9;
	vm2 =	vcmask $0x3F10  }
0x70: {  	v7 =	vadd.s32 v7, v8;
	vm5 =	vmand vm0, vm2;
	vm0 =	vcmask $0x3F18  }
0x71: {  	v9 =	vld [tilespmem:s22+$0x2006];
	vm4 =	veq.s32 v3, v10;
	v10 =	vsel vm1, $0x1, v1;
	vm2 =	vmand vm15, vm0  }
0x72: {  	v6 =	vadd.s32 v6, v7;
	vm15 =	veq.s32 v3, v4;
	vm0 =	vcmask $0x3F20  }
0x73: {  	v8 =	vsel vm5, $0x1, v1;
	vm3 =	veq.s32 v3, v5;
	vm15 =	vmand vm15, vm0  }
0x74: {  	v4 =	vld [tilespmem:s22+$0x2005];
	v7 =	vsel vm2, $0x1, v1;
	vm2 =	vcmask $0x3F1C;
	v6 =	vadd.s32 v8, v6  }
0x75: {  	v5 =	vld [tilespmem:s22+$0x2004];
	vm2 =	vmand vm3, vm2;
	vm3 =	vcmask $0x3F24;
	v8 =	vsel vm15, $0x1, v1  }
0x76: {  	v6 =	vadd.s32 v10, v6;
	vm3 =	vmand vm4, vm3;
	vm0 =	veq.s32 v3, v9  }
0x77: {  	v10 =	vsel vm2, $0x1, v1;
	v7 =	vadd.s32 v7, v6;
	vm4 =	vmmov vm9;
	v9 =	vld [tilespmem:s22+$0x2003]  }
0x78: {  	vm9 =	vmmov vm6;
	vm6 =	vmmov vm8;
	vm0 =	vmand vm0, vm12  }
0x79: {  	vm8 =	vmmov vm10;
	v7 =	vadd.s32 v10, v7;
	vm1 =	veq.s32 v3, v4;
	v4 =	vld [tilespmem:s22+$0x2001]  }
.Ltmp3:
0x7a: {  	v10 =	vsel vm3, $0x1, v1;
	vm1 =	vmand vm1, vm14;
	vm2 =	veq.s32 v3, v5;
	v6 =	vld [tilespmem:s22+$0x2002];
	(pc) =	sbr.rel @p0 .LBB2_8-.Ltmp3, $4  }
0x7b: {  	vm3 =	vmmov vm7;
	vm7 =	vmmov vm13;
	vm2 =	vmand vm2, vm11;
	v5 =	vld.idx.msk [tilespmem:v3+s16+$0x0], $0xffff  }
0x7c: {  	v7 =	vadd.s32 v8, v7;
	v11 =	vsel vm0, $0x1, v1;
	vm0 =	veq.s32 v3, v9  }
0x7d: {  	v7 =	vadd.s32 v10, v7;
	v8 =	vsel vm1, $0x1, v1;
	vm0 =	vmand vm0, vm9  }
0x7e: {  	v10 =	vadd.s32 v11, v7;
	v9 =	vsel vm2, $0x1, v1;
	v7 =	vsel vm0, $0x1, v1  }
0x7f: {  	v8 =	vadd.s32 v8, v10  }
0x80: {  	vm0 =	veq.s32 v3, v6;
	v59 =	vadd.s32 v9, v8  }
0x81: {  	vm1 =	veq.s32 v3, v4;
	vm0 =	vmand vm0, vm6;
	v60 =	vadd.s32 v7, v59  }
0x82: {  	vm1 =	vmand vm1, vm8;
	v61 =	vsel vm0, $0x1, v1;
	v4 =	vadd.s32 v5, v60  }
0x83: {  	v62 =	vsel vm1, $0x1, v1;
	v4 =	vadd.s32 v61, v4  }
0x84: {  	v63 =	vld [tilespmem:s22+$0x4010];
	v4 =	vadd.s32 v62, v4;
	_ =	sdelay $0x4  }
0x85: {  	[tilespmem:v4+s17+$0x0] =	vst.idx.msk $0xffff, v63  }
0x86: {  	s0 =	simm.s32 $0x0;
	[tilespmem:v3+s16+$0x0] =	vst.idx.add.s32.msk $0xffff, v2  }
0x87: {  	[hbm4b:s7+s0] =	stream.linear.scatter [tilespmem:s17], [sflag:$0x4], $0x2000, $0x38;
	[tilespmem:$0x1A010] =	vst v63  }
0x88: {  	_ =	swait.ge [sflag:s18], $0x2000  }
0x89: {  	s0 =	sand.u32 $0x1, s0;
	[sflag:s18] =	ssyncset.done $0x0  }
0x8a: {  	s23 =	simm.s32 $0x400;
	s26 =	sor.u32 $0x2, s0;
	[sflag:s18] =	ssyncadd.s32 $0xFFFFE000  }
0x8b: {  	s22 =	simm.s32 $0x2000;
	s30 =	simm.s32 $0x1;
	_ =	swait.ge [sflag:s26], $0x8000  }
0x8c: {  	s1 =	sadd.s32 $0x0, s8;
	s0 =	sshll.u32 s0, $0xF;
	[sflag:s26] =	ssyncset.done $0x0  }
0x8d: {  	s29 =	simm.s32 $0x4000;
	s0 =	sadd.s32 $0xA010, s0;
	[sflag:s26] =	ssyncadd.s32 $0xFFFF8000  }
0x8e: {  	[hbm4b:s1+s19] =	stream.strided.scatter [tilespmem:s0], [sflag:$0x4], $0x8000, s20, s19, $0x38;
	[tilespmem:$0x1A010] =	vst v63  }
0x8f: {  	p1 =	por $0x0, $0x0;
	s24 =	simm.s32 $0x600;
	_ =	swait.ge [sflag:s18], $0x8000  }
0x90: {  	s31 =	simm.s32 $0x2;
	s25 =	sand.u32 $0x1, s30;
	[sflag:s18] =	ssyncset.done $0x0  }
0x91: {  	vm13 =	vcmask $0x3F24;
	vm2 =	vcmask $0x3F1C;
	s28 =	sshll.u32 s25, $0xF;
	s1 =	simm.s32 @!p1 $0x200;
	[sflag:s18] =	ssyncadd.s32 $0xFFFF8000  }
.LBB2_10:
0x92: {  	[tilespmem:s0], [sflag:s26] =	stream.indirect.gather @!p1 [hbm4b:s6+s1], $0x40, s23, s1, $0xb8;
	[tilespmem:$0x1A010] =	vst v63  }
0x93: {  	s0 =	smov.u32 s29;
	s23 =	smov.u32 s24;
	s1 =	smov.u32 s30  }
0x94: {  	s29 =	sadd.s32 $0x2000, s29;
	s26 =	sor.u32 $0x2, s25;
	s25 =	sand.u32 $0x1, s31  }
0x95: {  	s30 =	sshll.u32 s25, $0xF;
	p0 =	sne.s32 s29, $0x20000;
	_ =	swait.ge [sflag:s26], $0x8000  }
0x96: {  	s10 =	sadd.s32 s22, s8;
	s22 =	smov.u32 s0;
	[sflag:s26] =	ssyncset.done $0x0  }
.Ltmp4:
0x97: {  	s0 =	sadd.s32 $0xA010, s28;
	[sflag:s26] =	ssyncadd.s32 $0xFFFF8000;
	(pc) =	sbr.rel @p0 .LBB2_10-.Ltmp4, $4  }
0x98: {  	[hbm4b:s10+s19] =	stream.strided.scatter [tilespmem:s0], [sflag:$0x4], $0x8000, s20, s19, $0x38;
	[tilespmem:$0x1A010] =	vst v63  }
0x99: {  	s28 =	smov.u32 s30;
	s30 =	smov.u32 s31;
	_ =	swait.ge [sflag:s18], $0x8000  }
0x9a: {  	s24 =	sadd.s32 $0x200, s24;
	p1 =	sgt.u32 s1, $0xD;
	[sflag:s18] =	ssyncset.done $0x0  }
0x9b: {  	s31 =	sadd.s32 $0x1, s31;
	s1 =	simm.s32 @!p1 $0x200;
	[sflag:s18] =	ssyncadd.s32 $0xFFFF8000  }
0x9c: {  	[tilespmem:s0], [sflag:s26] =	stream.indirect.gather @!p1 [hbm4b:s6+s1], $0x40, s23, s1, $0xb8;
	[tilespmem:$0x1A010] =	vst v63  }
0x9d: {  	s0 =	sor.u32 $0x2, s25  }
0x9e: {  	_ =	swait.ge [sflag:s0], $0x8000  }
0x9f: {  	[sflag:s0] =	ssyncset.done $0x0  }
0xa0: {  	s31 =	sadd.s32 s22, s8;
	s10 =	sadd.s32 $0xA010, s28;
	[sflag:s0] =	ssyncadd.s32 $0xFFFF8000  }
0xa1: {  	[hbm4b:s31+s19] =	stream.strided.scatter [tilespmem:s10], [sflag:$0x4], $0x8000, s20, s19, $0x38;
	[tilespmem:$0x1A010] =	vst v63  }
0xa2: {  	_ =	swait.ge [sflag:s18], $0x8000  }
0xa3: {  	p0 =	sgt.u32 s30, $0xD;
	[sflag:s18] =	ssyncset.done $0x0  }
0xa4: {  	s21 =	sadd.s32 $0x1, s21;
	s1 =	simm.s32 @!p0 $0x200;
	[sflag:s18] =	ssyncadd.s32 $0xFFFF8000  }
0xa5: {  	[tilespmem:s10], [sflag:s0] =	stream.indirect.gather @!p0 [hbm4b:s6+s1], $0x40, s24, s1, $0xb8;
	[tilespmem:$0x1A010] =	vst v63  }
0xa6: {  	p0 =	sne.s32 s21, s9  }
.Ltmp5:
0xa7: {  	_ = 	snop;
	(pc) =	sbr.rel @p0 .LBB2_1-.Ltmp5, $2  }
0xa8: {  	_ =	sdelay $0x2  }
0xa9: {  	vm0 =	vmmov vm2  }
0xaa: {  	_ =	sfence.sel $0x180000  }
0xab: {  	[bflag:$0x0] =	sbarrier.arrive $0xFFFF  }
0xac: {  	_ =	strace $0x90000047  }
0xad: {  	s0 =	stileid.u32;
	[bflag:$0x2] =	sbarrier.arrive $0xFFFF  }
0xae: {  	p0 =	sne.s32 s0, $0x0;
	s0 =	rddreg [dreg:$0x3]  }
0xaf: {  	s0 =	sadd.s32 @!p0 $0x100000, s0  }
0xb0: {  	[sflag:s0] =	ssyncadd.tile.s32 @!p0 $0x1;
	_ =	shalt  }
.Lfunc_end2:
_tile_overlayer_lowered:
.L_overlay_start_2:
0xb1: {  	(tag) =	ssettag $0x2  }
0xb2: {  	s0 =	rddreg [dreg:$0x0];
	s2 =	stileid.u32  }
0xb3: {  	s1 =	rddreg [dreg:$0x1];
	p0 =	sne.s32 s2, $0x0  }
0xb4: {  	s3 =	rddreg [dreg:$0x2];
	[bflag:$0x3] =	sbarrier.arrive $0xFFFF;
	s2 =	simm.s32 @!p0 $0x1C04  }
0xb5: {  	[timem:s3], [sflag:s2] =	dma.local @!p0 [hbm:s0], s1  }
0xb6: {  	s0 =	simm.s32 @!p0 $0x4  }
0xb7: {  	_ =	swait.ge @!p0 [sflag:s0], s1  }
0xb8: {  	s1 =	ssub.s32 @!p0 $0x0, s1;
	[sflag:s0] =	ssyncset.done @!p0 $0x0  }
0xb9: {  	[sflag:s0] =	ssyncadd.s32 @!p0 s1  }
0xba: {  	[bflag:$0x3] =	sbarrier.arrive $0xFFFF  }
0xbb: {  	_ =	shalt  }

// kernel: sparse-core-data-format-call.cloned.1.call-start
scs
called_computation_lowered:
.L_overlay_start_0:
0x0: {  	s2 =	sld [smem:$0x3FD9]  }
0x1: {  	s3 =	sld [smem:$0x3FFE];
	_ =	sdelay $0x1  }
0x2: {  	s1 =	srdreg.scid  }
0x3: {  	s0 =	sand.u32 $0x1, s1  }
0x4: {  	s15 =	sshll.u32 s0, $0xA;
	s2 =	sadd.s32 s3, s2  }
0x5: {  	s2 =	sadd.s32 s2, s15  }
0x6: {  	[smem:$0x3FC4] =	sst s2  }
0x7: {  	_ = 	snop  }
0x8: {  	s2 =	sld [smem:$0x3FD0];
	_ =	sdelay $0x2  }
0x9: {  	s16 =	simm.s32 $0xA;
	s4 =	simm.s32 $0x10  }
0xa: {  	[smem:s4], [sflag:s16] =	dma.local [hbm:s2], $0x1  }
0xb: {  	_ =	swait.eq [sflag:s16], $0x1  }
0xc: {  	[sflag:s16] =	ssyncset.done $0x0  }
0xd: {  	[sflag:s16] =	ssyncadd.s32 $0xFFFFFFFF  }
0xe: {  	s17 =	sld [smem:$0x10];
	(tm) =	ssettm $0x1  }
0xf: {  	s18 =	sld [smem:$0x3FFB];
	_ =	sdelay $0x3  }
0x10: {  	_ =	strace s18  }
0x11: {  	s3 =	sld [smem:$0x3FFC];
	_ =	sdelay $0x3  }
0x12: {  	_ =	strace s3  }
0x13: {  	s3 =	sld [smem:$0x3FFD];
	_ =	sdelay $0x3  }
0x14: {  	_ =	strace s3  }
0x15: {  	_ =	strace $0x8FFFFFFF  }
0x16: {  	s19 =	sld [smem:$0x3FDB];
	_ =	sdelay $0x1  }
0x17: {  	s20 =	simm.s32 $_scs_section_size  }
0x18: {  	s5 =	simm.s32 $_size__tile_overlayer_lowered;
	s6 =	simm.s32 $_tile_overlayer_lowered  }
0x19: {  	s23 =	simm.s32 $0x1BFF;
	s22 =	sshll.u32 s6, $0x1;
	s3 =	sadd.s32 s20, s19  }
0x1a: {  	s7 =	simm.s32 $0x0;
	s21 =	sshll.u32 s5, $0x1;
	s5 =	sadd.s32 s22, s3  }
0x1b: {  	[timem:s7], [sflag:s23] =	dma.local [hbm:s5], s21  }
0x1c: {  	_ =	swait.ge [sflag:s23], s21  }
0x1d: {  	s4 =	ssub.s32 $0x0, s21;
	[sflag:s23] =	ssyncset.done $0x0  }
0x1e: {  	[sflag:s23] =	ssyncadd.s32 s4;
	_ =	sdelay $0x1  }
0x1f: {  	s24 =	simm.s32 $0x1B8B  }
0x20: {  	_ =	swait.ge [sflag:s24], $0x1  }
0x21: {  	[sflag:s24] =	ssyncset.done $0x0  }
0x22: {  	s26 =	simm.s32 $0x1B8E;
	s25 =	sld [smem:$0x3FFE];
	[sflag:s24] =	ssyncadd.s32 $0xFFFFFFFF  }
0x23: {  	s27 =	simm.s32 $execute0_lowered;
	[smem:$0x3FD2] =	sst s26  }
0x24: {  	s5 =	sshll.u32 s27, $0x1;
	_ =	strace $0x80000049;
	[dreg:$0x1] =	wrdreg $0xFFFFFFFF  }
0x25: {  	s28 =	simm.s32 $_size_execute0_lowered;
	s3 =	sadd.s32 s3, s5;
	[dreg:$0x0] =	wrdreg $0x0  }
0x26: {  	s5 =	sshll.u32 s28, $0x1;
	[dreg:$0x2] =	wrdreg s3  }
0x27: {  	[dreg:$0x3] =	wrdreg s5  }
0x28: {  	[dreg:$0x4] =	wrdreg $0xC0  }
0x29: {  	_ =	task [dreg:s7], $0x5FFFF  }
0x2a: {  	[dreg:$0x1] =	wrdreg $0xFFFFFFFF  }
0x2b: {  	[dreg:$0x0] =	wrdreg $0x60  }
0x2c: {  	[dreg:$0x2] =	wrdreg s25  }
0x2d: {  	[dreg:$0x3] =	wrdreg s17  }
0x2e: {  	[dreg:$0x4] =	wrdreg $0x9  }
0x2f: {  	_ =	task.clear_ibuf [dreg:s7], $0x5FFFF;
	_ =	strace $0x90000049  }
0x30: {  	s29 =	simm.s32 $0x9;
	_ =	strace $0x8000004B  }
0x31: {  	_ =	swait.ge [sflag:s29], $0x1  }
0x32: {  	[sflag:s29] =	ssyncadd.s32 $0xFFFFFFFF  }
0x33: {  	_ =	strace $0x9000004B  }
0x34: {  	_ =	sfence  }
0x35: {  	s30 =	sld [smem:$0x0];
	_ =	sdelay $0x2  }
0x36: {  	s31 =	sshll.u32 s1, $0xD;
	s1 =	sshrl.u32 s1, $0x2  }
0x37: {  	s3 =	sand.u32 $0x4000, s31;
	s1 =	sadd.s32 s1, s30  }
0x38: {  	s0 =	sor.u32 s3, s0;
	s1 =	sshll.u32 s1, $0x11  }
0x39: {  	s0 =	sor.u32 s1, s0  }
0x3a: {  	s0 =	sadd.s32 $0x8F2B, s0  }
0x3b: {  	[sflag:s0] =	ssyncadd.remote.s32 $0x1  }
0x3c: {  	_ =	sfence.sel $0xFFFF  }
0x3d: {  	[dreg:$0x0] =	wrdreg $0xFFFFFFFF;
	(pc) =	sbr.abs _section_cstart, $3  }
0x3e: {  	[dreg:$0x1] =	wrdreg $0xFFFFFFFF  }
0x3f: {  	_ =	task.clear_ibuf [dreg:s7], $0x2FFFF;
	_ =	strace $0x9FFFFFFF  }
0x40: {  	(tm) =	ssettm $0x7FFFFFFF  }
0x41: {  	_ =	shalt  }
tec
execute0_lowered:
.L_overlay_start_1:
0x0: {  	(tag) =	ssettag $0x1  }
0x1: {  	s8 =	rddreg [dreg:$0x0]  }
0x2: {  	s2 =	rddreg [dreg:$0x1]  }
0x3: {  	s1 =	stileid.u32;
	s4 =	srdreg.scid  }
0x4: {  	s0 =	rddreg [dreg:$0x2];
	_ =	strace $0x8000004A;
	s9 =	simm.s32 $0x1  }
0x5: {  	s31 =	simm.s32 $0x2;
	s14 =	simm.s32 $0x0;
	s15 =	simm.s32 $0x0  }
0x6: {  	s13 =	simm.s32 $0x0;
	s3 =	sshll.u32 s1, $0x1;
	s4 =	sshll.u32 s4, $0x7  }
0x7: {  	s4 =	sand.u32 $0x80, s4;
	s5 =	ssub.s32 $0x20, s3;
	s12 =	smov.u32 s3  }
0x8: {  	s6 =	sshrl.u32 s5, $0x5;
	s5 =	sand.u32 $0x1E, s5;
	s7 =	ssub.s32 $0x2000, s4  }
0x9: {  	p0 =	sne.s32 s5, $0x0;
	s30 =	sshrl.u32 s7, $0x7;
	s7 =	sshrl.u32 s7, $0x8  }
.Ltmp0:
0xa: {  	s9 =	simm.s32 @!p0 $0x0;
	s10 =	sand.u32 $0x1, s30;
	(pc) =	sbr.rel .LBB1_1-.Ltmp0, $4  }
0xb: {  	s5 =	simm.s32 $0x1;
	s6 =	sadd.s32 s9, s6;
	s7 =	sadd.s32 s7, s10  }
0xc: {  	s11 =	smov.u32 s4;
	[sflag:s5] =	ssyncpa.u1 $0x0;
	s6 =	smul.u32 s6, s7  }
0xd: {  	p0 =	por $0x0, $0x0;
	[sflag:s31] =	ssyncpa.u1 $0x0;
	s10 =	simm.s32 $0x10000  }
0xe: {  	s7 =	sadd.s32 $0x18E00, s8;
	s8 =	sadd.s32 $0x38E00, s8;
	s9 =	sadd.s32 $0x1, s6  }
.LBB1_7:
0xf: {  	s16 =	sadd.s32 $0x100, s11  }
0x10: {  	s14 =	sadd.s32 $0x20, s12;
	s18 =	smov.u32 s12;
	p2 =	sgt.s32 s16, $0x1FFF  }
0x11: {  	s18 =	smov.u32 @p2 s14  }
0x12: {  	s16 =	smov.u32 @p2 s4;
	p2 =	sgt.s32 s18, $0x1F  }
0x13: {  	s18 =	smov.u32 @p2 s3;
	p2 =	sne.s32 s13, s9  }
.Ltmp1:
0x14: {  	p1 =	slt.u32 s13, $0x2;
	(pc) =	sbr.rel @!p2 .LBB1_8-.Ltmp1, $4  }
0x15: {  	s17 =	simm.s32 @!p1 $0x2  }
0x16: {  	s15 =	smov.u32 s12;
	p0 =	por !p0, !p0;
	_ =	swait.ge @!p1 [sflag:s17], $0x4000  }
0x17: {  	s14 =	smov.u32 s11;
	[sflag:s17] =	ssyncset.done @!p1 $0x0;
	s11 =	smov.u32 s16  }
0x18: {  	s13 =	sadd.s32 $0x1, s13;
	[sflag:s17] =	ssyncadd.s32 @!p1 $0xFFFFC000;
	s12 =	smov.u32 s18  }
.LBB1_1:
0x19: {  	p1 =	sge.u32 s13, s6  }
0x1a: {  	s16 =	sxor.u32 @!p1 $0xFFFFFFFF, s13;
	s17 =	sshll.u32 @!p1 s12, $0x11  }
0x1b: {  	s18 =	sshll.u32 @!p1 s11, $0x4;
	s20 =	simm.s32 @!p1 $0x40;
	s21 =	simm.s32 @!p1 $0x80  }
0x1c: {  	s16 =	sshll.u32 @!p1 s16, $0xE;
	s18 =	sand.u32 @!p1 $0x1FFF0, s18;
	s19 =	sadd.s32 @!p1 s7, s17  }
0x1d: {  	s17 =	sadd.s32 @!p1 s17, s8;
	s16 =	sand.u32 @!p1 $0x4000, s16;
	s19 =	sadd.s32 @!p1 s18, s19  }
0x1e: {  	[tilespmem:s16], [sflag:$0x1] =	stream.strided.gather @!p1 [hbm4b:s19+s20], $0x2000, s21, s20, $0x38;
	[tilespmem:$0x10100] =	vst v63  }
0x1f: {  	s31 =	sadd.s32 $0xFFFFFFFF, s13;
	s17 =	sadd.s32 @!p1 s18, s17;
	s16 =	sor.u32 @!p1 $0x2000, s16  }
0x20: {  	[tilespmem:s16], [sflag:$0x1] =	stream.strided.gather @!p1 [hbm4b:s17+s20], $0x2000, s21, s20, $0x38;
	[tilespmem:$0x10100] =	vst v63  }
0x21: {  	p1 =	sge.u32 s31, s6  }
.Ltmp2:
0x22: {  	_ = 	snop;
	(pc) =	sbr.rel @p1 .LBB1_7-.Ltmp2, $1  }
0x23: {  	_ =	sdelay $0x3  }
0x24: {  	s16 =	simm.s32 $0x1;
	s18 =	sand.u32 $0x1, s13  }
0x25: {  	_ =	swait.ge [sflag:s5], $0x4000;
	s16 =	simm.s32 @!p0 $0x0;
	s18 =	smul.u32 $0x10200, s18  }
0x26: {  	p2 =	por $0x1, $0x1;
	[sflag:s5] =	ssyncset.done $0x0;
	s17 =	smul.u32 $0x10200, s16  }
0x27: {  	s19 =	sshll.u32 s16, $0x10;
	[sflag:s5] =	ssyncadd.s32 $0xFFFFC000;
	s30 =	sshrl.u32 s18, $0x2  }
0x28: {  	s31 =	sshrl.u32 s19, $0x2;
	s19 =	simm.s32 $0x0;
	s17 =	sshrl.u32 s17, $0x2  }
0x29: {  	s16 =	sor.u32 $0x8000, s30;
	s18 =	sadd.s32 $0x20, s31;
	s17 =	sor.u32 $0x8000, s17  }
.LBB1_3:
0x2a: {  	s20 =	sshll.u32 s19, $0xD  }
0x2b: {  	s20 =	sand.u32 $0x3FFFE000, s20  }
0x2c: {  	s22 =	sadd.s32 s20, s18  }
0x2d: {  	s31 =	smul.u32 $0x8100, s19;
	v3 =	vld [tilespmem:s22+$0x10]  }
0x2e: {  	v1 =	vld [tilespmem:s22+$0xFFFFFFF0]  }
0x2f: {  	s19 =	sshra.s32 s31, $0x2;
	v0 =	vld [tilespmem:s22+$0x0]  }
0x30: {  	s19 =	sadd.s32 s19, s17;
	v2 =	vld [tilespmem:s22+$0xFFFFFFE0]  }
0x31: {  	s20 =	sadd.s32 $0x0, s19  }
0x32: {  	p1 =	por p2, p2;
	s21 =	simm.s32 $0x4;
	s22 =	sadd.s32 $0x40, s22;
	[tilespmem:s20+$0x1830 ss:$0x81] =	vst.msk $0xffff, v3  }
.LBB1_4:
0x33: {  	v3 =	vld [tilespmem:s22+$0x10];
	p2 =	sne.s32 s21, $0x1FC;
	[tilespmem:s20+$0x810 ss:$0x81] =	vst.msk $0xffff, v1;
	s23 =	smov.u32 s21;
	s21 =	sadd.s32 $0x4, s21  }
.Ltmp3:
0x34: {  	v1 =	vld [tilespmem:s22+$0xFFFFFFF0];
	[tilespmem:s20+$0x1020 ss:$0x81] =	vst.msk $0xffff, v0;
	(pc) =	sbr.rel @p2 .LBB1_4-.Ltmp3, $4  }
0x35: {  	v0 =	vld [tilespmem:s22+$0x0];
	[tilespmem:s20+$0x0 ss:$0x81] =	vst.msk $0xffff, v2  }
0x36: {  	s20 =	sshra.s32 s23, $0x2;
	v2 =	vld [tilespmem:s22+$0xFFFFFFE0]  }
0x37: {  	s20 =	sadd.s32 s20, s19  }
0x38: {  	s22 =	sadd.s32 $0x40, s22;
	[tilespmem:s20+$0x1830 ss:$0x81] =	vst.msk $0xffff, v3  }
.Ltmp4:
0x39: {  	(pc) =	sbr.rel @p1 .LBB1_3-.Ltmp4, $4  }
0x3a: {  	_ = 	snop  }
0x3b: {  	[tilespmem:s20+$0x810 ss:$0x81] =	vst.msk $0xffff, v1  }
0x3c: {  	[tilespmem:s20+$0x1020 ss:$0x81] =	vst.msk $0xffff, v0  }
0x3d: {  	s19 =	simm.s32 $0x1;
	p2 =	por $0x0, $0x0;
	[tilespmem:s20+$0x0 ss:$0x81] =	vst.msk $0xffff, v2  }
0x3e: {  	s17 =	sshll.u32 s14, $0x3;
	s18 =	sand.u32 $0x78, s14;
	s15 =	sshll.u32 s15, $0x10  }
.Ltmp5:
0x3f: {  	s30 =	sand.u32 $0xFC00, s14;
	s17 =	sand.u32 $0x1C00, s17;
	(pc) =	sbr.rel .LBB1_7-.Ltmp5, $4  }
0x40: {  	s31 =	sand.u32 $0x7, s14;
	s15 =	sadd.s32 s2, s15;
	s17 =	sor.u32 s18, s17  }
0x41: {  	s14 =	sshll.u32 s31, $0x12;
	s15 =	sadd.s32 s30, s15;
	s17 =	sshrl.u32 s17, $0x3  }
0x42: {  	s14 =	sor.u32 $0x400, s14;
	s15 =	sadd.s32 s17, s15  }
0x43: {  	[hbm4b:s15+s14] =	stream.strided.scatter [tilespmem:s16], [sflag:$0x2], $0x4000, s10, s14, $0x20;
	[tilespmem:$0x10100] =	vst v63  }
.LBB1_8:
0x44: {  	_ =	sfence.sel $0x180000  }
0x45: {  	s2 =	simm.s32 $0x1;
	[bflag:$0x0] =	sbarrier.arrive $0xFFFF  }
0x46: {  	s31 =	simm.s32 $0x2;
	[sflag:s2] =	ssyncpa.u1 $0x1  }
0x47: {  	[sflag:s31] =	ssyncpa.u1 $0x1  }
0x48: {  	p0 =	sne.s32 s1, $0x0;
	_ =	strace $0x9000004A  }
0x49: {  	s0 =	sadd.s32 @!p0 $0x100000, s0;
	[bflag:$0x2] =	sbarrier.arrive $0xFFFF  }
0x4a: {  	[sflag:s0] =	ssyncadd.tile.s32 @!p0 $0x1;
	_ =	shalt  }
.Lfunc_end1:
_tile_overlayer_lowered:
.L_overlay_start_2:
0x4b: {  	(tag) =	ssettag $0x2  }
0x4c: {  	s0 =	rddreg [dreg:$0x0];
	s2 =	stileid.u32  }
0x4d: {  	s1 =	rddreg [dreg:$0x1];
	p0 =	sne.s32 s2, $0x0  }
0x4e: {  	s3 =	rddreg [dreg:$0x2];
	[bflag:$0x3] =	sbarrier.arrive $0xFFFF;
	s2 =	simm.s32 @!p0 $0x1C01  }
0x4f: {  	[timem:s3], [sflag:s2] =	dma.local @!p0 [hbm:s0], s1  }
0x50: {  	s0 =	simm.s32 @!p0 $0x1  }
0x51: {  	_ =	swait.ge @!p0 [sflag:s0], s1  }
0x52: {  	s1 =	ssub.s32 @!p0 $0x0, s1;
	[sflag:s0] =	ssyncset.done @!p0 $0x0  }
0x53: {  	[sflag:s0] =	ssyncadd.s32 @!p0 s1  }
0x54: {  	[bflag:$0x3] =	sbarrier.arrive $0xFFFF  }
0x55: {  	_ =	shalt  }

</sc_bundles>
